<compile_context>
chip_gen: v7x
topology: tpu7x:2x2x1
jax: 0.10.2.dev20260603
libtpu: 0.0.44.dev20260713+nightly
codegen_flags: <defaults>
</compile_context>

<pallas_src>
import jax
import jax.numpy as jnp
from jax import lax
from jax.experimental import pallas as pl
from jax.experimental.pallas import tpu as pltpu
from jax.experimental.pallas import tpu_sc as plsc

_NS = 32.0
_G = 8
_NCELL = _G * _G
_HID = 128
_NP = 1024
_L = 16

_NWORK = 32
_CPW = _NP // _NWORK
_GRP = 8
_NGRP = _CPW // _GRP
_CHUNK = 256
_NCHUNK = _NP // _CHUNK
_ROWW = _HID // 2
_NT = _HID // (2 * _L)


def _lane_splat(v, lane):
    idx = jnp.full((_L,), lane, dtype=jnp.int32)
    dn = lax.GatherDimensionNumbers(
        offset_dims=(), collapsed_slice_dims=(0,), start_index_map=(0,))
    return lax.gather(v, idx[:, None], dn, (1,),
                      mode=lax.GatherScatterMode.PROMISE_IN_BOUNDS)


def _sc_pool(hid_hbm, px_hbm, py_hbm, out_hbm, pxv, pyv, cellr, hbuf,
             outsem, *gbufs):
    wid = lax.axis_index("s") * 2 + lax.axis_index("c")
    c0 = wid * _CPW
    pltpu.sync_copy(px_hbm, pxv)
    pltpu.sync_copy(py_hbm, pyv)
    pltpu.sync_copy(hid_hbm, hbuf)
    iota = lax.iota(jnp.int32, _L)
    half = _NS / 2
    inv = _G / _NS
    zero16 = jnp.zeros((_L,), jnp.float32)

    def group_body(g, carry):
        gbase = c0 + g * _GRP
        cxv = pxv[pl.ds(gbase, _L)]
        cyv = pyv[pl.ds(gbase, _L)]

        def zb(i, c):
            for k in range(_GRP):
                gbufs[k][pl.ds(i * _L, _L)] = zero16
            return c
        lax.fori_loop(0, (_NCELL + 1) * _ROWW // _L, zb, 0)

        cxks = [_lane_splat(cxv, k) for k in range(_GRP)]
        cyks = [_lane_splat(cyv, k) for k in range(_GRP)]

        def cb(jg, c):
            jb = jg * _L
            jvec = jb + iota
            pxj = pxv[pl.ds(jb, _L)]
            pyj = pyv[pl.ds(jb, _L)]
            for k in range(_GRP):
                rx = pxj - cxks[k]
                ry = pyj - cyks[k]
                inb = (jnp.abs(rx) <= half) & (jnp.abs(ry) <= half)
                gx = jnp.clip((rx + half) * inv, 0.0, _G - 1.0)
                gy = jnp.clip((ry + half) * inv, 0.0, _G - 1.0)
                cell = gy.astype(jnp.int32) * _G + gx.astype(jnp.int32)
                ns = jvec != jnp.full((_L,), gbase + k, jnp.int32)
                row = jnp.where(inb & ns, cell, _NCELL) * _ROWW
                plsc.store_scatter(cellr, [jvec * _L + k], row)
            return c
        lax.fori_loop(0, _NP // _L, cb, 0)

        if True:
            def j_body(j, jc):
                rowv = cellr[pl.ds(j * _L, _L)]
                hv = [plsc.bitcast(hbuf[pl.ds(j * _ROWW + t * _L, _L)],
                                   jnp.bfloat16)
                      for t in range(_NT)]
                rks = [_lane_splat(rowv, k) for k in range(_GRP)]
                cvecs = [t * _L + iota for t in range(_NT)]
                gs = [None] * _NT
                ms = [None] * _NT
                for t in range(_NT):
                    gs[t] = [plsc.load_gather(gbufs[k], [rks[k] + cvecs[t]])
                             for k in range(_GRP)]
                    if t >= 1:
                        ms[t - 1] = [
                            plsc.bitcast(jnp.maximum(
                                plsc.bitcast(gs[t - 1][k], jnp.bfloat16),
                                hv[t - 1]), jnp.float32)
                            for k in range(_GRP)]
                        gs[t - 1] = None
                    if t >= 2:
                        for k in range(_GRP):
                            plsc.store_scatter(gbufs[k],
                                               [rks[k] + cvecs[t - 2]],
                                               ms[t - 2][k])
                        ms[t - 2] = None
                ms[_NT - 1] = [
                    plsc.bitcast(jnp.maximum(
                        plsc.bitcast(gs[_NT - 1][k], jnp.bfloat16),
                        hv[_NT - 1]), jnp.float32)
                    for k in range(_GRP)]
                for tt in (_NT - 2, _NT - 1):
                    for k in range(_GRP):
                        plsc.store_scatter(gbufs[k], [rks[k] + cvecs[tt]],
                                           ms[tt][k])
                return jc
            lax.fori_loop(0, _NP, j_body, 0)

        copies = [
            pltpu.async_copy(
                gbufs[k].at[pl.ds(0, _NCELL * _ROWW)],
                out_hbm.at[pl.ds((gbase + k) * _NCELL * _ROWW,
                                 _NCELL * _ROWW)],
                outsem)
            for k in range(_GRP)]
        for cp in copies:
            cp.wait()
        return carry
    lax.fori_loop(0, _NGRP, group_body, 0)


def _mm_kernel(p_ref, we_ref, wo_ref, b_ref, o_ref):
    pw = lax.bitcast_convert_type(p_ref[:], jnp.int32)
    lowf = lax.bitcast_convert_type(pw << 16, jnp.float32)
    highf = lax.bitcast_convert_type(pw & jnp.int32(-65536), jnp.float32)
    dn = (((1,), (1,)), ((), ()))
    acc = lax.dot_general(we_ref[:], lowf, dn,
                          preferred_element_type=jnp.float32)
    acc = acc + lax.dot_general(wo_ref[:], highf, dn,
                                preferred_element_type=jnp.float32)
    o_ref[:] = acc + b_ref[:]


def kernel(hidden_states, positions, W, b):
    npd, hidd = hidden_states.shape
    px = positions[:, 0]
    py = positions[:, 1]
    hu = lax.bitcast_convert_type(
        hidden_states.astype(jnp.bfloat16).astype(jnp.float32), jnp.uint32)
    hword = (hu[:, :_ROWW] >> 16) | (hu[:, _ROWW:] & jnp.uint32(0xFFFF0000))
    hid_w = lax.bitcast_convert_type(hword, jnp.float32).reshape(-1)

    pool = pl.kernel(
        _sc_pool,
        out_type=jax.ShapeDtypeStruct((_NP * _NCELL * _ROWW,), jnp.float32),
        mesh=plsc.VectorSubcoreMesh(core_axis_name="c", subcore_axis_name="s"),
        compiler_params=pltpu.CompilerParams(needs_layout_passes=False),
        scratch_types=[
            pltpu.VMEM((_NP,), jnp.float32),
            pltpu.VMEM((_NP,), jnp.float32),
            pltpu.VMEM((_NP * _L,), jnp.int32),
            pltpu.VMEM((_NP * _ROWW,), jnp.float32),
            pltpu.SemaphoreType.DMA,
        ] + [pltpu.VMEM(((_NCELL + 1) * _ROWW,), jnp.float32)
             for _ in range(_GRP)],
    )
    packed = pool(hid_w, px, py).reshape(npd, _NCELL * _ROWW)
    w3 = W.reshape(hidd, _NCELL, hidd)
    we = w3[:, :, :_ROWW].reshape(hidd, _NCELL * _ROWW)
    wo = w3[:, :, _ROWW:].reshape(hidd, _NCELL * _ROWW)

    rb = 128
    nw = _NCELL * _ROWW
    out = pl.pallas_call(
        _mm_kernel,
        grid=(npd // rb,),
        in_specs=[
            pl.BlockSpec((rb, nw), lambda i: (i, 0)),
            pl.BlockSpec((hidd, nw), lambda i: (0, 0)),
            pl.BlockSpec((hidd, nw), lambda i: (0, 0)),
            pl.BlockSpec((hidd, 1), lambda i: (0, 0)),
        ],
        out_specs=pl.BlockSpec((hidd, rb), lambda i: (0, i)),
        out_shape=jax.ShapeDtypeStruct((hidd, npd), jnp.float32),
    )(packed, we, wo, b.reshape(hidd, 1))
    return out.T

# --- scband reference (transcript-rebuilt; emitter-appended) ---
"""Pipeline reference for scband-social-pooling-69355131895928 (READ-ONLY COPY).

The authoritative reference and input builder live on the scoring server;
editing this copy changes nothing except your own understanding.
"""

import jax, jax.numpy as jnp
import numpy as np

HIDDEN = 128
GRID = 8
NS = 32.0
CELL = NS / GRID
N_PEDS = 1024
CHUNK = 64


def setup_inputs(seed: int = 0) -> dict:
    key = jax.random.key(seed)
    k1, k2, k3, k4 = jax.random.split(key, 4)
    hidden_states = jax.random.normal(k1, (N_PEDS, HIDDEN), dtype=jnp.float32)
    positions = jax.random.normal(k2, (N_PEDS, 2), dtype=jnp.float32)
    fan_in = GRID * GRID * HIDDEN
    bound = 1.0 / np.sqrt(fan_in)
    W = jax.random.uniform(k3, (HIDDEN, fan_in), dtype=jnp.float32, minval=-bound, maxval=bound)
    b = jax.random.uniform(k4, (HIDDEN,), dtype=jnp.float32, minval=-bound, maxval=bound)
    return {"hidden_states": hidden_states, "positions": positions, "W": W, "b": b}


def reference(hidden_states, positions, W, b):
    N, H = hidden_states.shape
    idx = jnp.arange(N)
    NEG = jnp.float32(-1e30)

    def body(carry, i_chunk):
        centers = positions[i_chunk]                      # [C, 2]
        rel = positions[None, :, :] - centers[:, None, :]  # [C, N, 2] rel_pos of j w.r.t. center i
        inb = (jnp.abs(rel[..., 0]) <= NS / 2) & (jnp.abs(rel[..., 1]) <= NS / 2)
        noself = i_chunk[:, None] != idx[None, :]
        mask = inb & noself                               # [C, N]
        gx = jnp.clip(jnp.floor((rel[..., 0] + NS / 2) / CELL).astype(jnp.int32), 0, GRID - 1)
        gy = jnp.clip(jnp.floor((rel[..., 1] + NS / 2) / CELL).astype(jnp.int32), 0, GRID - 1)
        cell = gy * GRID + gx                             # [C, N] flat cell index = grid_y*GRID+grid_x
        hm = jnp.where(mask[..., None], hidden_states[None, :, :], NEG)  # [C, N, H]

        def scat(c, h):
            # grid starts at zeros; torch does maximum(grid_cell, h_j) per neighbor
            g = jnp.zeros((GRID * GRID, H), dtype=hidden_states.dtype)
            g = g.at[c].max(h)
            return g.reshape(-1)

        flat = jax.vmap(scat)(cell, hm)                   # [C, GRID*GRID*H]
        return carry, flat

    _, flats = jax.lax.scan(body, None, idx.reshape(-1, CHUNK))
    flat = flats.reshape(N, GRID * GRID * H)
    return flat @ W.T + b

if __name__ == "__main__":
    import jax
    _d = setup_inputs()
    print(jax.jit(kernel)(*tuple(_d.values())))

</pallas_src>

<mosaic_0001>
#map = affine_map<(d0, d1) -> (0)>
module attributes {stable_mosaic.version = 14 : i64} {
  func.func @_sc_pool(%arg0: i32, %arg1: i32, %arg2: memref<65536xf32, #tpu.memory_space<hbm>>, %arg3: memref<1024xf32, #tpu.memory_space<hbm>>, %arg4: memref<1024xf32, #tpu.memory_space<hbm>>, %arg5: memref<4194304xf32, #tpu.memory_space<hbm>>, %arg6: memref<1024xf32, #tpu.memory_space<vmem>>, %arg7: memref<1024xf32, #tpu.memory_space<vmem>>, %arg8: memref<16384xi32, #tpu.memory_space<vmem>>, %arg9: memref<65536xf32, #tpu.memory_space<vmem>>, %arg10: memref<!tpu.dma_semaphore, #tpu.memory_space<semaphore_mem>>, %arg11: memref<4160xf32, #tpu.memory_space<vmem>>, %arg12: memref<4160xf32, #tpu.memory_space<vmem>>, %arg13: memref<4160xf32, #tpu.memory_space<vmem>>, %arg14: memref<4160xf32, #tpu.memory_space<vmem>>, %arg15: memref<4160xf32, #tpu.memory_space<vmem>>, %arg16: memref<4160xf32, #tpu.memory_space<vmem>>, %arg17: memref<4160xf32, #tpu.memory_space<vmem>>, %arg18: memref<4160xf32, #tpu.memory_space<vmem>>) attributes {dimension_semantics = [#tpu.dimension_semantics<core_parallel>, #tpu.dimension_semantics<subcore_parallel>], iteration_bounds = array<i64: 2, 16>, scalar_prefetch = 0 : i64, scratch_operands = 13 : i64, tpu.core_type = #tpu.core_type<sc_vector_subcore>, window_params = [{transform_indices = #map}, {transform_indices = #map}, {transform_indices = #map}, {transform_indices = #map}]} {
    %mul3A = arith.constant 2 : i32
    %mul3A_0 = arith.muli %arg1, %mul3A : i32
    %add3A = arith.addi %mul3A_0, %arg0 : i32
    %mul3A_1 = arith.constant 32 : i32
    %mul3A_2 = arith.muli %add3A, %mul3A_1 : i32
    "tpu.region"() ({
      %run_scoped3A = tpu.sem_alloc : memref<!tpu.dma_semaphore, #tpu.memory_space<semaphore_mem>>
      tpu.enqueue_dma source(%arg3 : memref<1024xf32, #tpu.memory_space<hbm>>) target(%arg6 : memref<1024xf32, #tpu.memory_space<vmem>>) target_semaphore(%run_scoped3A : memref<!tpu.dma_semaphore, #tpu.memory_space<semaphore_mem>>)
      tpu.wait_dma2 semaphore(%run_scoped3A : memref<!tpu.dma_semaphore, #tpu.memory_space<semaphore_mem>>) src(%arg3 : memref<1024xf32, #tpu.memory_space<hbm>>) dst(%arg6 : memref<1024xf32, #tpu.memory_space<vmem>>)
      tpu.yield
    }) : () -> ()
    "tpu.region"() ({
      %run_scoped3A = tpu.sem_alloc : memref<!tpu.dma_semaphore, #tpu.memory_space<semaphore_mem>>
      tpu.enqueue_dma source(%arg4 : memref<1024xf32, #tpu.memory_space<hbm>>) target(%arg7 : memref<1024xf32, #tpu.memory_space<vmem>>) target_semaphore(%run_scoped3A : memref<!tpu.dma_semaphore, #tpu.memory_space<semaphore_mem>>)
      tpu.wait_dma2 semaphore(%run_scoped3A : memref<!tpu.dma_semaphore, #tpu.memory_space<semaphore_mem>>) src(%arg4 : memref<1024xf32, #tpu.memory_space<hbm>>) dst(%arg7 : memref<1024xf32, #tpu.memory_space<vmem>>)
      tpu.yield
    }) : () -> ()
    "tpu.region"() ({
      %run_scoped3A = tpu.sem_alloc : memref<!tpu.dma_semaphore, #tpu.memory_space<semaphore_mem>>
      tpu.enqueue_dma source(%arg2 : memref<65536xf32, #tpu.memory_space<hbm>>) target(%arg9 : memref<65536xf32, #tpu.memory_space<vmem>>) target_semaphore(%run_scoped3A : memref<!tpu.dma_semaphore, #tpu.memory_space<semaphore_mem>>)
      tpu.wait_dma2 semaphore(%run_scoped3A : memref<!tpu.dma_semaphore, #tpu.memory_space<semaphore_mem>>) src(%arg2 : memref<65536xf32, #tpu.memory_space<hbm>>) dst(%arg9 : memref<65536xf32, #tpu.memory_space<vmem>>)
      tpu.yield
    }) : () -> ()
    %iota3A = tpu.iota {dimensions = array<i32: 0>} : vector<16xi32>
    %broadcast_in_dim3A = arith.constant 0.000000e+00 : f32
    %broadcast_in_dim3A_3 = vector.broadcast %broadcast_in_dim3A : f32 to vector<16xf32>
    %scan3A = arith.constant 0 : i32
    %scan3A_4 = arith.constant 0 : i32
    %scan3A_5 = arith.constant 4 : i32
    %scan3A_6 = arith.addi %scan3A_4, %scan3A_5 : i32
    %scan3A_7 = arith.constant 1 : i32
    scf.for %scan3A_9 = %scan3A_4 to %scan3A_6 step %scan3A_7  : i32 {
      %mul3A_10 = arith.constant 8 : i32
      %mul3A_11 = arith.muli %scan3A_9, %mul3A_10 : i32
      %add3A_12 = arith.addi %mul3A_2, %mul3A_11 : i32
      %get3A = arith.index_cast %add3A_12 : i32 to index
      %get3A_13 = tpu.vector_load %arg6[%get3A] {strides = array<i32>} : memref<1024xf32, #tpu.memory_space<vmem>>, vector<16xf32>,
      %get3A_14 = arith.index_cast %add3A_12 : i32 to index
      %get3A_15 = tpu.vector_load %arg7[%get3A_14] {strides = array<i32>} : memref<1024xf32, #tpu.memory_space<vmem>>, vector<16xf32>,
      %scan3A_16 = arith.constant 0 : i32
      %scan3A_17 = arith.constant 0 : i32
      %scan3A_18 = arith.constant 260 : i32
      %scan3A_19 = arith.addi %scan3A_17, %scan3A_18 : i32
      %scan3A_20 = arith.constant 1 : i32
      scf.for %scan3A_255 = %scan3A_17 to %scan3A_19 step %scan3A_20  : i32 {
        %mul3A_256 = arith.constant 16 : i32
        %mul3A_257 = arith.muli %scan3A_255, %mul3A_256 : i32
        %swap3A = arith.index_cast %mul3A_257 : i32 to index
        %swap3A_258 = tpu.vector_load %arg11[%swap3A] {strides = array<i32>} : memref<4160xf32, #tpu.memory_space<vmem>>, vector<16xf32>,
        tpu.vector_store %arg11[%swap3A], %broadcast_in_dim3A_3 {strides = array<i32>} : memref<4160xf32, #tpu.memory_space<vmem>>, vector<16xf32>,
        %mul3A_259 = arith.constant 16 : i32
        %mul3A_260 = arith.muli %scan3A_255, %mul3A_259 : i32
        %swap3A_261 = arith.index_cast %mul3A_260 : i32 to index
        %swap3A_262 = tpu.vector_load %arg12[%swap3A_261] {strides = array<i32>} : memref<4160xf32, #tpu.memory_space<vmem>>, vector<16xf32>,
        tpu.vector_store %arg12[%swap3A_261], %broadcast_in_dim3A_3 {strides = array<i32>} : memref<4160xf32, #tpu.memory_space<vmem>>, vector<16xf32>,
        %mul3A_263 = arith.constant 16 : i32
        %mul3A_264 = arith.muli %scan3A_255, %mul3A_263 : i32
        %swap3A_265 = arith.index_cast %mul3A_264 : i32 to index
        %swap3A_266 = tpu.vector_load %arg13[%swap3A_265] {strides = array<i32>} : memref<4160xf32, #tpu.memory_space<vmem>>, vector<16xf32>,
        tpu.vector_store %arg13[%swap3A_265], %broadcast_in_dim3A_3 {strides = array<i32>} : memref<4160xf32, #tpu.memory_space<vmem>>, vector<16xf32>,
        %mul3A_267 = arith.constant 16 : i32
        %mul3A_268 = arith.muli %scan3A_255, %mul3A_267 : i32
        %swap3A_269 = arith.index_cast %mul3A_268 : i32 to index
        %swap3A_270 = tpu.vector_load %arg14[%swap3A_269] {strides = array<i32>} : memref<4160xf32, #tpu.memory_space<vmem>>, vector<16xf32>,
        tpu.vector_store %arg14[%swap3A_269], %broadcast_in_dim3A_3 {strides = array<i32>} : memref<4160xf32, #tpu.memory_space<vmem>>, vector<16xf32>,
        %mul3A_271 = arith.constant 16 : i32
        %mul3A_272 = arith.muli %scan3A_255, %mul3A_271 : i32
        %swap3A_273 = arith.index_cast %mul3A_272 : i32 to index
        %swap3A_274 = tpu.vector_load %arg15[%swap3A_273] {strides = array<i32>} : memref<4160xf32, #tpu.memory_space<vmem>>, vector<16xf32>,
        tpu.vector_store %arg15[%swap3A_273], %broadcast_in_dim3A_3 {strides = array<i32>} : memref<4160xf32, #tpu.memory_space<vmem>>, vector<16xf32>,
        %mul3A_275 = arith.constant 16 : i32
        %mul3A_276 = arith.muli %scan3A_255, %mul3A_275 : i32
        %swap3A_277 = arith.index_cast %mul3A_276 : i32 to index
        %swap3A_278 = tpu.vector_load %arg16[%swap3A_277] {strides = array<i32>} : memref<4160xf32, #tpu.memory_space<vmem>>, vector<16xf32>,
        tpu.vector_store %arg16[%swap3A_277], %broadcast_in_dim3A_3 {strides = array<i32>} : memref<4160xf32, #tpu.memory_space<vmem>>, vector<16xf32>,
        %mul3A_279 = arith.constant 16 : i32
        %mul3A_280 = arith.muli %scan3A_255, %mul3A_279 : i32
        %swap3A_281 = arith.index_cast %mul3A_280 : i32 to index
        %swap3A_282 = tpu.vector_load %arg17[%swap3A_281] {strides = array<i32>} : memref<4160xf32, #tpu.memory_space<vmem>>, vector<16xf32>,
        tpu.vector_store %arg17[%swap3A_281], %broadcast_in_dim3A_3 {strides = array<i32>} : memref<4160xf32, #tpu.memory_space<vmem>>, vector<16xf32>,
        %mul3A_283 = arith.constant 16 : i32
        %mul3A_284 = arith.muli %scan3A_255, %mul3A_283 : i32
        %swap3A_285 = arith.index_cast %mul3A_284 : i32 to index
        %swap3A_286 = tpu.vector_load %arg18[%swap3A_285] {strides = array<i32>} : memref<4160xf32, #tpu.memory_space<vmem>>, vector<16xf32>,
        tpu.vector_store %arg18[%swap3A_285], %broadcast_in_dim3A_3 {strides = array<i32>} : memref<4160xf32, #tpu.memory_space<vmem>>, vector<16xf32>,
      }
      %scan3A_21 = arith.constant 260 : i32
      %broadcast_in_dim3A_22 = arith.constant 0 : i32
      %broadcast_in_dim3A_23 = vector.broadcast %broadcast_in_dim3A_22 : i32 to vector<16xi32>
      %broadcast_in_dim3A_24 = vector.shape_cast %broadcast_in_dim3A_23 : vector<16xi32> to vector<16x1xi32>
      %gather3A = vector.shape_cast %broadcast_in_dim3A_24 : vector<16x1xi32> to vector<16xi32>
      %gather3A_25 = tpu.dynamic_gather %get3A_13[%gather3A] in [0] : vector<16xf32>, vector<16xi32> -> vector<16xf32>
      %broadcast_in_dim3A_26 = arith.constant 1 : i32
      %broadcast_in_dim3A_27 = vector.broadcast %broadcast_in_dim3A_26 : i32 to vector<16xi32>
      %broadcast_in_dim3A_28 = vector.shape_cast %broadcast_in_dim3A_27 : vector<16xi32> to vector<16x1xi32>
      %gather3A_29 = vector.shape_cast %broadcast_in_dim3A_28 : vector<16x1xi32> to vector<16xi32>
      %gather3A_30 = tpu.dynamic_gather %get3A_13[%gather3A_29] in [0] : vector<16xf32>, vector<16xi32> -> vector<16xf32>
      %broadcast_in_dim3A_31 = arith.constant 2 : i32
      %broadcast_in_dim3A_32 = vector.broadcast %broadcast_in_dim3A_31 : i32 to vector<16xi32>
      %broadcast_in_dim3A_33 = vector.shape_cast %broadcast_in_dim3A_32 : vector<16xi32> to vector<16x1xi32>
      %gather3A_34 = vector.shape_cast %broadcast_in_dim3A_33 : vector<16x1xi32> to vector<16xi32>
      %gather3A_35 = tpu.dynamic_gather %get3A_13[%gather3A_34] in [0] : vector<16xf32>, vector<16xi32> -> vector<16xf32>
      %broadcast_in_dim3A_36 = arith.constant 3 : i32
      %broadcast_in_dim3A_37 = vector.broadcast %broadcast_in_dim3A_36 : i32 to vector<16xi32>
      %broadcast_in_dim3A_38 = vector.shape_cast %broadcast_in_dim3A_37 : vector<16xi32> to vector<16x1xi32>
      %gather3A_39 = vector.shape_cast %broadcast_in_dim3A_38 : vector<16x1xi32> to vector<16xi32>
      %gather3A_40 = tpu.dynamic_gather %get3A_13[%gather3A_39] in [0] : vector<16xf32>, vector<16xi32> -> vector<16xf32>
      %broadcast_in_dim3A_41 = arith.constant 4 : i32
      %broadcast_in_dim3A_42 = vector.broadcast %broadcast_in_dim3A_41 : i32 to vector<16xi32>
      %broadcast_in_dim3A_43 = vector.shape_cast %broadcast_in_dim3A_42 : vector<16xi32> to vector<16x1xi32>
      %gather3A_44 = vector.shape_cast %broadcast_in_dim3A_43 : vector<16x1xi32> to vector<16xi32>
      %gather3A_45 = tpu.dynamic_gather %get3A_13[%gather3A_44] in [0] : vector<16xf32>, vector<16xi32> -> vector<16xf32>
      %broadcast_in_dim3A_46 = arith.constant 5 : i32
      %broadcast_in_dim3A_47 = vector.broadcast %broadcast_in_dim3A_46 : i32 to vector<16xi32>
      %broadcast_in_dim3A_48 = vector.shape_cast %broadcast_in_dim3A_47 : vector<16xi32> to vector<16x1xi32>
      %gather3A_49 = vector.shape_cast %broadcast_in_dim3A_48 : vector<16x1xi32> to vector<16xi32>
      %gather3A_50 = tpu.dynamic_gather %get3A_13[%gather3A_49] in [0] : vector<16xf32>, vector<16xi32> -> vector<16xf32>
      %broadcast_in_dim3A_51 = arith.constant 6 : i32
      %broadcast_in_dim3A_52 = vector.broadcast %broadcast_in_dim3A_51 : i32 to vector<16xi32>
      %broadcast_in_dim3A_53 = vector.shape_cast %broadcast_in_dim3A_52 : vector<16xi32> to vector<16x1xi32>
      %gather3A_54 = vector.shape_cast %broadcast_in_dim3A_53 : vector<16x1xi32> to vector<16xi32>
      %gather3A_55 = tpu.dynamic_gather %get3A_13[%gather3A_54] in [0] : vector<16xf32>, vector<16xi32> -> vector<16xf32>
      %broadcast_in_dim3A_56 = arith.constant 7 : i32
      %broadcast_in_dim3A_57 = vector.broadcast %broadcast_in_dim3A_56 : i32 to vector<16xi32>
      %broadcast_in_dim3A_58 = vector.shape_cast %broadcast_in_dim3A_57 : vector<16xi32> to vector<16x1xi32>
      %gather3A_59 = vector.shape_cast %broadcast_in_dim3A_58 : vector<16x1xi32> to vector<16xi32>
      %gather3A_60 = tpu.dynamic_gather %get3A_13[%gather3A_59] in [0] : vector<16xf32>, vector<16xi32> -> vector<16xf32>
      %broadcast_in_dim3A_61 = arith.constant 0 : i32
      %broadcast_in_dim3A_62 = vector.broadcast %broadcast_in_dim3A_61 : i32 to vector<16xi32>
      %broadcast_in_dim3A_63 = vector.shape_cast %broadcast_in_dim3A_62 : vector<16xi32> to vector<16x1xi32>
      %gather3A_64 = vector.shape_cast %broadcast_in_dim3A_63 : vector<16x1xi32> to vector<16xi32>
      %gather3A_65 = tpu.dynamic_gather %get3A_15[%gather3A_64] in [0] : vector<16xf32>, vector<16xi32> -> vector<16xf32>
      %broadcast_in_dim3A_66 = arith.constant 1 : i32
      %broadcast_in_dim3A_67 = vector.broadcast %broadcast_in_dim3A_66 : i32 to vector<16xi32>
      %broadcast_in_dim3A_68 = vector.shape_cast %broadcast_in_dim3A_67 : vector<16xi32> to vector<16x1xi32>
      %gather3A_69 = vector.shape_cast %broadcast_in_dim3A_68 : vector<16x1xi32> to vector<16xi32>
      %gather3A_70 = tpu.dynamic_gather %get3A_15[%gather3A_69] in [0] : vector<16xf32>, vector<16xi32> -> vector<16xf32>
      %broadcast_in_dim3A_71 = arith.constant 2 : i32
      %broadcast_in_dim3A_72 = vector.broadcast %broadcast_in_dim3A_71 : i32 to vector<16xi32>
      %broadcast_in_dim3A_73 = vector.shape_cast %broadcast_in_dim3A_72 : vector<16xi32> to vector<16x1xi32>
      %gather3A_74 = vector.shape_cast %broadcast_in_dim3A_73 : vector<16x1xi32> to vector<16xi32>
      %gather3A_75 = tpu.dynamic_gather %get3A_15[%gather3A_74] in [0] : vector<16xf32>, vector<16xi32> -> vector<16xf32>
      %broadcast_in_dim3A_76 = arith.constant 3 : i32
      %broadcast_in_dim3A_77 = vector.broadcast %broadcast_in_dim3A_76 : i32 to vector<16xi32>
      %broadcast_in_dim3A_78 = vector.shape_cast %broadcast_in_dim3A_77 : vector<16xi32> to vector<16x1xi32>
      %gather3A_79 = vector.shape_cast %broadcast_in_dim3A_78 : vector<16x1xi32> to vector<16xi32>
      %gather3A_80 = tpu.dynamic_gather %get3A_15[%gather3A_79] in [0] : vector<16xf32>, vector<16xi32> -> vector<16xf32>
      %broadcast_in_dim3A_81 = arith.constant 4 : i32
      %broadcast_in_dim3A_82 = vector.broadcast %broadcast_in_dim3A_81 : i32 to vector<16xi32>
      %broadcast_in_dim3A_83 = vector.shape_cast %broadcast_in_dim3A_82 : vector<16xi32> to vector<16x1xi32>
      %gather3A_84 = vector.shape_cast %broadcast_in_dim3A_83 : vector<16x1xi32> to vector<16xi32>
      %gather3A_85 = tpu.dynamic_gather %get3A_15[%gather3A_84] in [0] : vector<16xf32>, vector<16xi32> -> vector<16xf32>
      %broadcast_in_dim3A_86 = arith.constant 5 : i32
      %broadcast_in_dim3A_87 = vector.broadcast %broadcast_in_dim3A_86 : i32 to vector<16xi32>
      %broadcast_in_dim3A_88 = vector.shape_cast %broadcast_in_dim3A_87 : vector<16xi32> to vector<16x1xi32>
      %gather3A_89 = vector.shape_cast %broadcast_in_dim3A_88 : vector<16x1xi32> to vector<16xi32>
      %gather3A_90 = tpu.dynamic_gather %get3A_15[%gather3A_89] in [0] : vector<16xf32>, vector<16xi32> -> vector<16xf32>
      %broadcast_in_dim3A_91 = arith.constant 6 : i32
      %broadcast_in_dim3A_92 = vector.broadcast %broadcast_in_dim3A_91 : i32 to vector<16xi32>
      %broadcast_in_dim3A_93 = vector.shape_cast %broadcast_in_dim3A_92 : vector<16xi32> to vector<16x1xi32>
      %gather3A_94 = vector.shape_cast %broadcast_in_dim3A_93 : vector<16x1xi32> to vector<16xi32>
      %gather3A_95 = tpu.dynamic_gather %get3A_15[%gather3A_94] in [0] : vector<16xf32>, vector<16xi32> -> vector<16xf32>
      %broadcast_in_dim3A_96 = arith.constant 7 : i32
      %broadcast_in_dim3A_97 = vector.broadcast %broadcast_in_dim3A_96 : i32 to vector<16xi32>
      %broadcast_in_dim3A_98 = vector.shape_cast %broadcast_in_dim3A_97 : vector<16xi32> to vector<16x1xi32>
      %gather3A_99 = vector.shape_cast %broadcast_in_dim3A_98 : vector<16x1xi32> to vector<16xi32>
      %gather3A_100 = tpu.dynamic_gather %get3A_15[%gather3A_99] in [0] : vector<16xf32>, vector<16xi32> -> vector<16xf32>
      %scan3A_101 = arith.constant 0 : i32
      %scan3A_102 = arith.constant 0 : i32
      %scan3A_103 = arith.constant 64 : i32
      %scan3A_104 = arith.addi %scan3A_102, %scan3A_103 : i32
      %scan3A_105 = arith.constant 1 : i32
      scf.for %scan3A_255 = %scan3A_102 to %scan3A_104 step %scan3A_105  : i32 {
        %mul3A_256 = arith.constant 16 : i32
        %mul3A_257 = arith.muli %scan3A_255, %mul3A_256 : i32
        %add3A_258 = vector.broadcast %mul3A_257 : i32 to vector<16xi32>
        %add3A_259 = arith.addi %add3A_258, %iota3A : vector<16xi32>
        %get3A_260 = arith.index_cast %mul3A_257 : i32 to index
        %get3A_261 = tpu.vector_load %arg6[%get3A_260] {strides = array<i32>} : memref<1024xf32, #tpu.memory_space<vmem>>, vector<16xf32>,
        %get3A_262 = arith.index_cast %mul3A_257 : i32 to index
        %get3A_263 = tpu.vector_load %arg7[%get3A_262] {strides = array<i32>} : memref<1024xf32, #tpu.memory_space<vmem>>, vector<16xf32>,
        %sub3A = arith.subf %get3A_261, %gather3A_25 : vector<16xf32>
        %sub3A_264 = arith.subf %get3A_263, %gather3A_65 : vector<16xf32>
        %abs3A = math.absf %sub3A : vector<16xf32>
        %le3A = arith.constant 1.600000e+01 : f32
        %le3A_265 = vector.broadcast %le3A : f32 to vector<16xf32>
        %le3A_266 = arith.cmpf ole, %abs3A, %le3A_265 : vector<16xf32>
        %abs3A_267 = math.absf %sub3A_264 : vector<16xf32>
        %le3A_268 = arith.constant 1.600000e+01 : f32
        %le3A_269 = vector.broadcast %le3A_268 : f32 to vector<16xf32>
        %le3A_270 = arith.cmpf ole, %abs3A_267, %le3A_269 : vector<16xf32>
        %and3A = arith.andi %le3A_266, %le3A_270 : vector<16xi1>
        %add3A_271 = arith.constant 1.600000e+01 : f32
        %add3A_272 = vector.broadcast %add3A_271 : f32 to vector<16xf32>
        %add3A_273 = arith.addf %sub3A, %add3A_272 : vector<16xf32>
        %mul3A_274 = arith.constant 2.500000e-01 : f32
        %mul3A_275 = vector.broadcast %mul3A_274 : f32 to vector<16xf32>
        %mul3A_276 = arith.mulf %add3A_273, %mul3A_275 : vector<16xf32>
        %jit3A = arith.constant 0.000000e+00 : f32
        %jit3A_277 = arith.constant 7.000000e+00 : f32
        %max3A = vector.broadcast %jit3A : f32 to vector<16xf32>
        %max3A_278 = arith.maximumf %max3A, %mul3A_276 : vector<16xf32>
        %min3A = vector.broadcast %jit3A_277 : f32 to vector<16xf32>
        %min3A_279 = arith.minimumf %min3A, %max3A_278 : vector<16xf32>
        %add3A_280 = arith.constant 1.600000e+01 : f32
        %add3A_281 = vector.broadcast %add3A_280 : f32 to vector<16xf32>
        %add3A_282 = arith.addf %sub3A_264, %add3A_281 : vector<16xf32>
        %mul3A_283 = arith.constant 2.500000e-01 : f32
        %mul3A_284 = vector.broadcast %mul3A_283 : f32 to vector<16xf32>
        %mul3A_285 = arith.mulf %add3A_282, %mul3A_284 : vector<16xf32>
        %jit3A_286 = arith.constant 0.000000e+00 : f32
        %jit3A_287 = arith.constant 7.000000e+00 : f32
        %max3A_288 = vector.broadcast %jit3A_286 : f32 to vector<16xf32>
        %max3A_289 = arith.maximumf %max3A_288, %mul3A_285 : vector<16xf32>
        %min3A_290 = vector.broadcast %jit3A_287 : f32 to vector<16xf32>
        %min3A_291 = arith.minimumf %min3A_290, %max3A_289 : vector<16xf32>
        %convert_element_type3A = arith.fptosi %min3A_291 : vector<16xf32> to vector<16xi32>
        %mul3A_292 = arith.constant 8 : i32
        %mul3A_293 = vector.broadcast %mul3A_292 : i32 to vector<16xi32>
        %mul3A_294 = arith.muli %convert_element_type3A, %mul3A_293 : vector<16xi32>
        %convert_element_type3A_295 = arith.fptosi %min3A_279 : vector<16xf32> to vector<16xi32>
        %add3A_296 = arith.addi %mul3A_294, %convert_element_type3A_295 : vector<16xi32>
        %add3A_297 = arith.constant 0 : i32
        %add3A_298 = arith.addi %add3A_12, %add3A_297 : i32
        %broadcast_in_dim3A_299 = vector.broadcast %add3A_298 : i32 to vector<16xi32>
        %ne3A = arith.cmpi ne, %add3A_259, %broadcast_in_dim3A_299 : vector<16xi32>
        %and3A_300 = arith.andi %and3A, %ne3A : vector<16xi1>
        %jit3A_301 = arith.constant 64 : i32
        %broadcast_in_dim3A_302 = vector.broadcast %jit3A_301 : i32 to vector<16xi32>
        %select_n3A = arith.select %and3A_300, %add3A_296, %broadcast_in_dim3A_302 : vector<16xi1>, vector<16xi32>
        %mul3A_303 = arith.constant 64 : i32
        %mul3A_304 = vector.broadcast %mul3A_303 : i32 to vector<16xi32>
        %mul3A_305 = arith.muli %select_n3A, %mul3A_304 : vector<16xi32>
        %mul3A_306 = arith.constant 16 : i32
        %mul3A_307 = vector.broadcast %mul3A_306 : i32 to vector<16xi32>
        %mul3A_308 = arith.muli %add3A_259, %mul3A_307 : vector<16xi32>
        %add3A_309 = arith.constant 0 : i32
        %add3A_310 = vector.broadcast %add3A_309 : i32 to vector<16xi32>
        %add3A_311 = arith.addi %mul3A_308, %add3A_310 : vector<16xi32>
        tpu.vector_store_idx %arg8[%add3A_311], %mul3A_305 : memref<16384xi32, #tpu.memory_space<vmem>>[vector<16xi32>], vector<16xi32>,
        %sub3A_312 = arith.subf %get3A_261, %gather3A_30 : vector<16xf32>
        %sub3A_313 = arith.subf %get3A_263, %gather3A_70 : vector<16xf32>
        %abs3A_314 = math.absf %sub3A_312 : vector<16xf32>
        %le3A_315 = arith.constant 1.600000e+01 : f32
        %le3A_316 = vector.broadcast %le3A_315 : f32 to vector<16xf32>
        %le3A_317 = arith.cmpf ole, %abs3A_314, %le3A_316 : vector<16xf32>
        %abs3A_318 = math.absf %sub3A_313 : vector<16xf32>
        %le3A_319 = arith.constant 1.600000e+01 : f32
        %le3A_320 = vector.broadcast %le3A_319 : f32 to vector<16xf32>
        %le3A_321 = arith.cmpf ole, %abs3A_318, %le3A_320 : vector<16xf32>
        %and3A_322 = arith.andi %le3A_317, %le3A_321 : vector<16xi1>
        %add3A_323 = arith.constant 1.600000e+01 : f32
        %add3A_324 = vector.broadcast %add3A_323 : f32 to vector<16xf32>
        %add3A_325 = arith.addf %sub3A_312, %add3A_324 : vector<16xf32>
        %mul3A_326 = arith.constant 2.500000e-01 : f32
        %mul3A_327 = vector.broadcast %mul3A_326 : f32 to vector<16xf32>
        %mul3A_328 = arith.mulf %add3A_325, %mul3A_327 : vector<16xf32>
        %jit3A_329 = arith.constant 0.000000e+00 : f32
        %jit3A_330 = arith.constant 7.000000e+00 : f32
        %max3A_331 = vector.broadcast %jit3A_329 : f32 to vector<16xf32>
        %max3A_332 = arith.maximumf %max3A_331, %mul3A_328 : vector<16xf32>
        %min3A_333 = vector.broadcast %jit3A_330 : f32 to vector<16xf32>
        %min3A_334 = arith.minimumf %min3A_333, %max3A_332 : vector<16xf32>
        %add3A_335 = arith.constant 1.600000e+01 : f32
        %add3A_336 = vector.broadcast %add3A_335 : f32 to vector<16xf32>
        %add3A_337 = arith.addf %sub3A_313, %add3A_336 : vector<16xf32>
        %mul3A_338 = arith.constant 2.500000e-01 : f32
        %mul3A_339 = vector.broadcast %mul3A_338 : f32 to vector<16xf32>
        %mul3A_340 = arith.mulf %add3A_337, %mul3A_339 : vector<16xf32>
        %jit3A_341 = arith.constant 0.000000e+00 : f32
        %jit3A_342 = arith.constant 7.000000e+00 : f32
        %max3A_343 = vector.broadcast %jit3A_341 : f32 to vector<16xf32>
        %max3A_344 = arith.maximumf %max3A_343, %mul3A_340 : vector<16xf32>
        %min3A_345 = vector.broadcast %jit3A_342 : f32 to vector<16xf32>
        %min3A_346 = arith.minimumf %min3A_345, %max3A_344 : vector<16xf32>
        %convert_element_type3A_347 = arith.fptosi %min3A_346 : vector<16xf32> to vector<16xi32>
        %mul3A_348 = arith.constant 8 : i32
        %mul3A_349 = vector.broadcast %mul3A_348 : i32 to vector<16xi32>
        %mul3A_350 = arith.muli %convert_element_type3A_347, %mul3A_349 : vector<16xi32>
        %convert_element_type3A_351 = arith.fptosi %min3A_334 : vector<16xf32> to vector<16xi32>
        %add3A_352 = arith.addi %mul3A_350, %convert_element_type3A_351 : vector<16xi32>
        %add3A_353 = arith.constant 1 : i32
        %add3A_354 = arith.addi %add3A_12, %add3A_353 : i32
        %broadcast_in_dim3A_355 = vector.broadcast %add3A_354 : i32 to vector<16xi32>
        %ne3A_356 = arith.cmpi ne, %add3A_259, %broadcast_in_dim3A_355 : vector<16xi32>
        %and3A_357 = arith.andi %and3A_322, %ne3A_356 : vector<16xi1>
        %jit3A_358 = arith.constant 64 : i32
        %broadcast_in_dim3A_359 = vector.broadcast %jit3A_358 : i32 to vector<16xi32>
        %select_n3A_360 = arith.select %and3A_357, %add3A_352, %broadcast_in_dim3A_359 : vector<16xi1>, vector<16xi32>
        %mul3A_361 = arith.constant 64 : i32
        %mul3A_362 = vector.broadcast %mul3A_361 : i32 to vector<16xi32>
        %mul3A_363 = arith.muli %select_n3A_360, %mul3A_362 : vector<16xi32>
        %mul3A_364 = arith.constant 16 : i32
        %mul3A_365 = vector.broadcast %mul3A_364 : i32 to vector<16xi32>
        %mul3A_366 = arith.muli %add3A_259, %mul3A_365 : vector<16xi32>
        %add3A_367 = arith.constant 1 : i32
        %add3A_368 = vector.broadcast %add3A_367 : i32 to vector<16xi32>
        %add3A_369 = arith.addi %mul3A_366, %add3A_368 : vector<16xi32>
        tpu.vector_store_idx %arg8[%add3A_369], %mul3A_363 : memref<16384xi32, #tpu.memory_space<vmem>>[vector<16xi32>], vector<16xi32>,
        %sub3A_370 = arith.subf %get3A_261, %gather3A_35 : vector<16xf32>
        %sub3A_371 = arith.subf %get3A_263, %gather3A_75 : vector<16xf32>
        %abs3A_372 = math.absf %sub3A_370 : vector<16xf32>
        %le3A_373 = arith.constant 1.600000e+01 : f32
        %le3A_374 = vector.broadcast %le3A_373 : f32 to vector<16xf32>
        %le3A_375 = arith.cmpf ole, %abs3A_372, %le3A_374 : vector<16xf32>
        %abs3A_376 = math.absf %sub3A_371 : vector<16xf32>
        %le3A_377 = arith.constant 1.600000e+01 : f32
        %le3A_378 = vector.broadcast %le3A_377 : f32 to vector<16xf32>
        %le3A_379 = arith.cmpf ole, %abs3A_376, %le3A_378 : vector<16xf32>
        %and3A_380 = arith.andi %le3A_375, %le3A_379 : vector<16xi1>
        %add3A_381 = arith.constant 1.600000e+01 : f32
        %add3A_382 = vector.broadcast %add3A_381 : f32 to vector<16xf32>
        %add3A_383 = arith.addf %sub3A_370, %add3A_382 : vector<16xf32>
        %mul3A_384 = arith.constant 2.500000e-01 : f32
        %mul3A_385 = vector.broadcast %mul3A_384 : f32 to vector<16xf32>
        %mul3A_386 = arith.mulf %add3A_383, %mul3A_385 : vector<16xf32>
        %jit3A_387 = arith.constant 0.000000e+00 : f32
        %jit3A_388 = arith.constant 7.000000e+00 : f32
        %max3A_389 = vector.broadcast %jit3A_387 : f32 to vector<16xf32>
        %max3A_390 = arith.maximumf %max3A_389, %mul3A_386 : vector<16xf32>
        %min3A_391 = vector.broadcast %jit3A_388 : f32 to vector<16xf32>
        %min3A_392 = arith.minimumf %min3A_391, %max3A_390 : vector<16xf32>
        %add3A_393 = arith.constant 1.600000e+01 : f32
        %add3A_394 = vector.broadcast %add3A_393 : f32 to vector<16xf32>
        %add3A_395 = arith.addf %sub3A_371, %add3A_394 : vector<16xf32>
        %mul3A_396 = arith.constant 2.500000e-01 : f32
        %mul3A_397 = vector.broadcast %mul3A_396 : f32 to vector<16xf32>
        %mul3A_398 = arith.mulf %add3A_395, %mul3A_397 : vector<16xf32>
        %jit3A_399 = arith.constant 0.000000e+00 : f32
        %jit3A_400 = arith.constant 7.000000e+00 : f32
        %max3A_401 = vector.broadcast %jit3A_399 : f32 to vector<16xf32>
        %max3A_402 = arith.maximumf %max3A_401, %mul3A_398 : vector<16xf32>
        %min3A_403 = vector.broadcast %jit3A_400 : f32 to vector<16xf32>
        %min3A_404 = arith.minimumf %min3A_403, %max3A_402 : vector<16xf32>
        %convert_element_type3A_405 = arith.fptosi %min3A_404 : vector<16xf32> to vector<16xi32>
        %mul3A_406 = arith.constant 8 : i32
        %mul3A_407 = vector.broadcast %mul3A_406 : i32 to vector<16xi32>
        %mul3A_408 = arith.muli %convert_element_type3A_405, %mul3A_407 : vector<16xi32>
        %convert_element_type3A_409 = arith.fptosi %min3A_392 : vector<16xf32> to vector<16xi32>
        %add3A_410 = arith.addi %mul3A_408, %convert_element_type3A_409 : vector<16xi32>
        %add3A_411 = arith.constant 2 : i32
        %add3A_412 = arith.addi %add3A_12, %add3A_411 : i32
        %broadcast_in_dim3A_413 = vector.broadcast %add3A_412 : i32 to vector<16xi32>
        %ne3A_414 = arith.cmpi ne, %add3A_259, %broadcast_in_dim3A_413 : vector<16xi32>
        %and3A_415 = arith.andi %and3A_380, %ne3A_414 : vector<16xi1>
        %jit3A_416 = arith.constant 64 : i32
        %broadcast_in_dim3A_417 = vector.broadcast %jit3A_416 : i32 to vector<16xi32>
        %select_n3A_418 = arith.select %and3A_415, %add3A_410, %broadcast_in_dim3A_417 : vector<16xi1>, vector<16xi32>
        %mul3A_419 = arith.constant 64 : i32
        %mul3A_420 = vector.broadcast %mul3A_419 : i32 to vector<16xi32>
        %mul3A_421 = arith.muli %select_n3A_418, %mul3A_420 : vector<16xi32>
        %mul3A_422 = arith.constant 16 : i32
        %mul3A_423 = vector.broadcast %mul3A_422 : i32 to vector<16xi32>
        %mul3A_424 = arith.muli %add3A_259, %mul3A_423 : vector<16xi32>
        %add3A_425 = arith.constant 2 : i32
        %add3A_426 = vector.broadcast %add3A_425 : i32 to vector<16xi32>
        %add3A_427 = arith.addi %mul3A_424, %add3A_426 : vector<16xi32>
        tpu.vector_store_idx %arg8[%add3A_427], %mul3A_421 : memref<16384xi32, #tpu.memory_space<vmem>>[vector<16xi32>], vector<16xi32>,
        %sub3A_428 = arith.subf %get3A_261, %gather3A_40 : vector<16xf32>
        %sub3A_429 = arith.subf %get3A_263, %gather3A_80 : vector<16xf32>
        %abs3A_430 = math.absf %sub3A_428 : vector<16xf32>
        %le3A_431 = arith.constant 1.600000e+01 : f32
        %le3A_432 = vector.broadcast %le3A_431 : f32 to vector<16xf32>
        %le3A_433 = arith.cmpf ole, %abs3A_430, %le3A_432 : vector<16xf32>
        %abs3A_434 = math.absf %sub3A_429 : vector<16xf32>
        %le3A_435 = arith.constant 1.600000e+01 : f32
        %le3A_436 = vector.broadcast %le3A_435 : f32 to vector<16xf32>
        %le3A_437 = arith.cmpf ole, %abs3A_434, %le3A_436 : vector<16xf32>
        %and3A_438 = arith.andi %le3A_433, %le3A_437 : vector<16xi1>
        %add3A_439 = arith.constant 1.600000e+01 : f32
        %add3A_440 = vector.broadcast %add3A_439 : f32 to vector<16xf32>
        %add3A_441 = arith.addf %sub3A_428, %add3A_440 : vector<16xf32>
        %mul3A_442 = arith.constant 2.500000e-01 : f32
        %mul3A_443 = vector.broadcast %mul3A_442 : f32 to vector<16xf32>
        %mul3A_444 = arith.mulf %add3A_441, %mul3A_443 : vector<16xf32>
        %jit3A_445 = arith.constant 0.000000e+00 : f32
        %jit3A_446 = arith.constant 7.000000e+00 : f32
        %max3A_447 = vector.broadcast %jit3A_445 : f32 to vector<16xf32>
        %max3A_448 = arith.maximumf %max3A_447, %mul3A_444 : vector<16xf32>
        %min3A_449 = vector.broadcast %jit3A_446 : f32 to vector<16xf32>
        %min3A_450 = arith.minimumf %min3A_449, %max3A_448 : vector<16xf32>
        %add3A_451 = arith.constant 1.600000e+01 : f32
        %add3A_452 = vector.broadcast %add3A_451 : f32 to vector<16xf32>
        %add3A_453 = arith.addf %sub3A_429, %add3A_452 : vector<16xf32>
        %mul3A_454 = arith.constant 2.500000e-01 : f32
        %mul3A_455 = vector.broadcast %mul3A_454 : f32 to vector<16xf32>
        %mul3A_456 = arith.mulf %add3A_453, %mul3A_455 : vector<16xf32>
        %jit3A_457 = arith.constant 0.000000e+00 : f32
        %jit3A_458 = arith.constant 7.000000e+00 : f32
        %max3A_459 = vector.broadcast %jit3A_457 : f32 to vector<16xf32>
        %max3A_460 = arith.maximumf %max3A_459, %mul3A_456 : vector<16xf32>
        %min3A_461 = vector.broadcast %jit3A_458 : f32 to vector<16xf32>
        %min3A_462 = arith.minimumf %min3A_461, %max3A_460 : vector<16xf32>
        %convert_element_type3A_463 = arith.fptosi %min3A_462 : vector<16xf32> to vector<16xi32>
        %mul3A_464 = arith.constant 8 : i32
        %mul3A_465 = vector.broadcast %mul3A_464 : i32 to vector<16xi32>
        %mul3A_466 = arith.muli %convert_element_type3A_463, %mul3A_465 : vector<16xi32>
        %convert_element_type3A_467 = arith.fptosi %min3A_450 : vector<16xf32> to vector<16xi32>
        %add3A_468 = arith.addi %mul3A_466, %convert_element_type3A_467 : vector<16xi32>
        %add3A_469 = arith.constant 3 : i32
        %add3A_470 = arith.addi %add3A_12, %add3A_469 : i32
        %broadcast_in_dim3A_471 = vector.broadcast %add3A_470 : i32 to vector<16xi32>
        %ne3A_472 = arith.cmpi ne, %add3A_259, %broadcast_in_dim3A_471 : vector<16xi32>
        %and3A_473 = arith.andi %and3A_438, %ne3A_472 : vector<16xi1>
        %jit3A_474 = arith.constant 64 : i32
        %broadcast_in_dim3A_475 = vector.broadcast %jit3A_474 : i32 to vector<16xi32>
        %select_n3A_476 = arith.select %and3A_473, %add3A_468, %broadcast_in_dim3A_475 : vector<16xi1>, vector<16xi32>
        %mul3A_477 = arith.constant 64 : i32
        %mul3A_478 = vector.broadcast %mul3A_477 : i32 to vector<16xi32>
        %mul3A_479 = arith.muli %select_n3A_476, %mul3A_478 : vector<16xi32>
        %mul3A_480 = arith.constant 16 : i32
        %mul3A_481 = vector.broadcast %mul3A_480 : i32 to vector<16xi32>
        %mul3A_482 = arith.muli %add3A_259, %mul3A_481 : vector<16xi32>
        %add3A_483 = arith.constant 3 : i32
        %add3A_484 = vector.broadcast %add3A_483 : i32 to vector<16xi32>
        %add3A_485 = arith.addi %mul3A_482, %add3A_484 : vector<16xi32>
        tpu.vector_store_idx %arg8[%add3A_485], %mul3A_479 : memref<16384xi32, #tpu.memory_space<vmem>>[vector<16xi32>], vector<16xi32>,
        %sub3A_486 = arith.subf %get3A_261, %gather3A_45 : vector<16xf32>
        %sub3A_487 = arith.subf %get3A_263, %gather3A_85 : vector<16xf32>
        %abs3A_488 = math.absf %sub3A_486 : vector<16xf32>
        %le3A_489 = arith.constant 1.600000e+01 : f32
        %le3A_490 = vector.broadcast %le3A_489 : f32 to vector<16xf32>
        %le3A_491 = arith.cmpf ole, %abs3A_488, %le3A_490 : vector<16xf32>
        %abs3A_492 = math.absf %sub3A_487 : vector<16xf32>
        %le3A_493 = arith.constant 1.600000e+01 : f32
        %le3A_494 = vector.broadcast %le3A_493 : f32 to vector<16xf32>
        %le3A_495 = arith.cmpf ole, %abs3A_492, %le3A_494 : vector<16xf32>
        %and3A_496 = arith.andi %le3A_491, %le3A_495 : vector<16xi1>
        %add3A_497 = arith.constant 1.600000e+01 : f32
        %add3A_498 = vector.broadcast %add3A_497 : f32 to vector<16xf32>
        %add3A_499 = arith.addf %sub3A_486, %add3A_498 : vector<16xf32>
        %mul3A_500 = arith.constant 2.500000e-01 : f32
        %mul3A_501 = vector.broadcast %mul3A_500 : f32 to vector<16xf32>
        %mul3A_502 = arith.mulf %add3A_499, %mul3A_501 : vector<16xf32>
        %jit3A_503 = arith.constant 0.000000e+00 : f32
        %jit3A_504 = arith.constant 7.000000e+00 : f32
        %max3A_505 = vector.broadcast %jit3A_503 : f32 to vector<16xf32>
        %max3A_506 = arith.maximumf %max3A_505, %mul3A_502 : vector<16xf32>
        %min3A_507 = vector.broadcast %jit3A_504 : f32 to vector<16xf32>
        %min3A_508 = arith.minimumf %min3A_507, %max3A_506 : vector<16xf32>
        %add3A_509 = arith.constant 1.600000e+01 : f32
        %add3A_510 = vector.broadcast %add3A_509 : f32 to vector<16xf32>
        %add3A_511 = arith.addf %sub3A_487, %add3A_510 : vector<16xf32>
        %mul3A_512 = arith.constant 2.500000e-01 : f32
        %mul3A_513 = vector.broadcast %mul3A_512 : f32 to vector<16xf32>
        %mul3A_514 = arith.mulf %add3A_511, %mul3A_513 : vector<16xf32>
        %jit3A_515 = arith.constant 0.000000e+00 : f32
        %jit3A_516 = arith.constant 7.000000e+00 : f32
        %max3A_517 = vector.broadcast %jit3A_515 : f32 to vector<16xf32>
        %max3A_518 = arith.maximumf %max3A_517, %mul3A_514 : vector<16xf32>
        %min3A_519 = vector.broadcast %jit3A_516 : f32 to vector<16xf32>
        %min3A_520 = arith.minimumf %min3A_519, %max3A_518 : vector<16xf32>
        %convert_element_type3A_521 = arith.fptosi %min3A_520 : vector<16xf32> to vector<16xi32>
        %mul3A_522 = arith.constant 8 : i32
        %mul3A_523 = vector.broadcast %mul3A_522 : i32 to vector<16xi32>
        %mul3A_524 = arith.muli %convert_element_type3A_521, %mul3A_523 : vector<16xi32>
        %convert_element_type3A_525 = arith.fptosi %min3A_508 : vector<16xf32> to vector<16xi32>
        %add3A_526 = arith.addi %mul3A_524, %convert_element_type3A_525 : vector<16xi32>
        %add3A_527 = arith.constant 4 : i32
        %add3A_528 = arith.addi %add3A_12, %add3A_527 : i32
        %broadcast_in_dim3A_529 = vector.broadcast %add3A_528 : i32 to vector<16xi32>
        %ne3A_530 = arith.cmpi ne, %add3A_259, %broadcast_in_dim3A_529 : vector<16xi32>
        %and3A_531 = arith.andi %and3A_496, %ne3A_530 : vector<16xi1>
        %jit3A_532 = arith.constant 64 : i32
        %broadcast_in_dim3A_533 = vector.broadcast %jit3A_532 : i32 to vector<16xi32>
        %select_n3A_534 = arith.select %and3A_531, %add3A_526, %broadcast_in_dim3A_533 : vector<16xi1>, vector<16xi32>
        %mul3A_535 = arith.constant 64 : i32
        %mul3A_536 = vector.broadcast %mul3A_535 : i32 to vector<16xi32>
        %mul3A_537 = arith.muli %select_n3A_534, %mul3A_536 : vector<16xi32>
        %mul3A_538 = arith.constant 16 : i32
        %mul3A_539 = vector.broadcast %mul3A_538 : i32 to vector<16xi32>
        %mul3A_540 = arith.muli %add3A_259, %mul3A_539 : vector<16xi32>
        %add3A_541 = arith.constant 4 : i32
        %add3A_542 = vector.broadcast %add3A_541 : i32 to vector<16xi32>
        %add3A_543 = arith.addi %mul3A_540, %add3A_542 : vector<16xi32>
        tpu.vector_store_idx %arg8[%add3A_543], %mul3A_537 : memref<16384xi32, #tpu.memory_space<vmem>>[vector<16xi32>], vector<16xi32>,
        %sub3A_544 = arith.subf %get3A_261, %gather3A_50 : vector<16xf32>
        %sub3A_545 = arith.subf %get3A_263, %gather3A_90 : vector<16xf32>
        %abs3A_546 = math.absf %sub3A_544 : vector<16xf32>
        %le3A_547 = arith.constant 1.600000e+01 : f32
        %le3A_548 = vector.broadcast %le3A_547 : f32 to vector<16xf32>
        %le3A_549 = arith.cmpf ole, %abs3A_546, %le3A_548 : vector<16xf32>
        %abs3A_550 = math.absf %sub3A_545 : vector<16xf32>
        %le3A_551 = arith.constant 1.600000e+01 : f32
        %le3A_552 = vector.broadcast %le3A_551 : f32 to vector<16xf32>
        %le3A_553 = arith.cmpf ole, %abs3A_550, %le3A_552 : vector<16xf32>
        %and3A_554 = arith.andi %le3A_549, %le3A_553 : vector<16xi1>
        %add3A_555 = arith.constant 1.600000e+01 : f32
        %add3A_556 = vector.broadcast %add3A_555 : f32 to vector<16xf32>
        %add3A_557 = arith.addf %sub3A_544, %add3A_556 : vector<16xf32>
        %mul3A_558 = arith.constant 2.500000e-01 : f32
        %mul3A_559 = vector.broadcast %mul3A_558 : f32 to vector<16xf32>
        %mul3A_560 = arith.mulf %add3A_557, %mul3A_559 : vector<16xf32>
        %jit3A_561 = arith.constant 0.000000e+00 : f32
        %jit3A_562 = arith.constant 7.000000e+00 : f32
        %max3A_563 = vector.broadcast %jit3A_561 : f32 to vector<16xf32>
        %max3A_564 = arith.maximumf %max3A_563, %mul3A_560 : vector<16xf32>
        %min3A_565 = vector.broadcast %jit3A_562 : f32 to vector<16xf32>
        %min3A_566 = arith.minimumf %min3A_565, %max3A_564 : vector<16xf32>
        %add3A_567 = arith.constant 1.600000e+01 : f32
        %add3A_568 = vector.broadcast %add3A_567 : f32 to vector<16xf32>
        %add3A_569 = arith.addf %sub3A_545, %add3A_568 : vector<16xf32>
        %mul3A_570 = arith.constant 2.500000e-01 : f32
        %mul3A_571 = vector.broadcast %mul3A_570 : f32 to vector<16xf32>
        %mul3A_572 = arith.mulf %add3A_569, %mul3A_571 : vector<16xf32>
        %jit3A_573 = arith.constant 0.000000e+00 : f32
        %jit3A_574 = arith.constant 7.000000e+00 : f32
        %max3A_575 = vector.broadcast %jit3A_573 : f32 to vector<16xf32>
        %max3A_576 = arith.maximumf %max3A_575, %mul3A_572 : vector<16xf32>
        %min3A_577 = vector.broadcast %jit3A_574 : f32 to vector<16xf32>
        %min3A_578 = arith.minimumf %min3A_577, %max3A_576 : vector<16xf32>
        %convert_element_type3A_579 = arith.fptosi %min3A_578 : vector<16xf32> to vector<16xi32>
        %mul3A_580 = arith.constant 8 : i32
        %mul3A_581 = vector.broadcast %mul3A_580 : i32 to vector<16xi32>
        %mul3A_582 = arith.muli %convert_element_type3A_579, %mul3A_581 : vector<16xi32>
        %convert_element_type3A_583 = arith.fptosi %min3A_566 : vector<16xf32> to vector<16xi32>
        %add3A_584 = arith.addi %mul3A_582, %convert_element_type3A_583 : vector<16xi32>
        %add3A_585 = arith.constant 5 : i32
        %add3A_586 = arith.addi %add3A_12, %add3A_585 : i32
        %broadcast_in_dim3A_587 = vector.broadcast %add3A_586 : i32 to vector<16xi32>
        %ne3A_588 = arith.cmpi ne, %add3A_259, %broadcast_in_dim3A_587 : vector<16xi32>
        %and3A_589 = arith.andi %and3A_554, %ne3A_588 : vector<16xi1>
        %jit3A_590 = arith.constant 64 : i32
        %broadcast_in_dim3A_591 = vector.broadcast %jit3A_590 : i32 to vector<16xi32>
        %select_n3A_592 = arith.select %and3A_589, %add3A_584, %broadcast_in_dim3A_591 : vector<16xi1>, vector<16xi32>
        %mul3A_593 = arith.constant 64 : i32
        %mul3A_594 = vector.broadcast %mul3A_593 : i32 to vector<16xi32>
        %mul3A_595 = arith.muli %select_n3A_592, %mul3A_594 : vector<16xi32>
        %mul3A_596 = arith.constant 16 : i32
        %mul3A_597 = vector.broadcast %mul3A_596 : i32 to vector<16xi32>
        %mul3A_598 = arith.muli %add3A_259, %mul3A_597 : vector<16xi32>
        %add3A_599 = arith.constant 5 : i32
        %add3A_600 = vector.broadcast %add3A_599 : i32 to vector<16xi32>
        %add3A_601 = arith.addi %mul3A_598, %add3A_600 : vector<16xi32>
        tpu.vector_store_idx %arg8[%add3A_601], %mul3A_595 : memref<16384xi32, #tpu.memory_space<vmem>>[vector<16xi32>], vector<16xi32>,
        %sub3A_602 = arith.subf %get3A_261, %gather3A_55 : vector<16xf32>
        %sub3A_603 = arith.subf %get3A_263, %gather3A_95 : vector<16xf32>
        %abs3A_604 = math.absf %sub3A_602 : vector<16xf32>
        %le3A_605 = arith.constant 1.600000e+01 : f32
        %le3A_606 = vector.broadcast %le3A_605 : f32 to vector<16xf32>
        %le3A_607 = arith.cmpf ole, %abs3A_604, %le3A_606 : vector<16xf32>
        %abs3A_608 = math.absf %sub3A_603 : vector<16xf32>
        %le3A_609 = arith.constant 1.600000e+01 : f32
        %le3A_610 = vector.broadcast %le3A_609 : f32 to vector<16xf32>
        %le3A_611 = arith.cmpf ole, %abs3A_608, %le3A_610 : vector<16xf32>
        %and3A_612 = arith.andi %le3A_607, %le3A_611 : vector<16xi1>
        %add3A_613 = arith.constant 1.600000e+01 : f32
        %add3A_614 = vector.broadcast %add3A_613 : f32 to vector<16xf32>
        %add3A_615 = arith.addf %sub3A_602, %add3A_614 : vector<16xf32>
        %mul3A_616 = arith.constant 2.500000e-01 : f32
        %mul3A_617 = vector.broadcast %mul3A_616 : f32 to vector<16xf32>
        %mul3A_618 = arith.mulf %add3A_615, %mul3A_617 : vector<16xf32>
        %jit3A_619 = arith.constant 0.000000e+00 : f32
        %jit3A_620 = arith.constant 7.000000e+00 : f32
        %max3A_621 = vector.broadcast %jit3A_619 : f32 to vector<16xf32>
        %max3A_622 = arith.maximumf %max3A_621, %mul3A_618 : vector<16xf32>
        %min3A_623 = vector.broadcast %jit3A_620 : f32 to vector<16xf32>
        %min3A_624 = arith.minimumf %min3A_623, %max3A_622 : vector<16xf32>
        %add3A_625 = arith.constant 1.600000e+01 : f32
        %add3A_626 = vector.broadcast %add3A_625 : f32 to vector<16xf32>
        %add3A_627 = arith.addf %sub3A_603, %add3A_626 : vector<16xf32>
        %mul3A_628 = arith.constant 2.500000e-01 : f32
        %mul3A_629 = vector.broadcast %mul3A_628 : f32 to vector<16xf32>
        %mul3A_630 = arith.mulf %add3A_627, %mul3A_629 : vector<16xf32>
        %jit3A_631 = arith.constant 0.000000e+00 : f32
        %jit3A_632 = arith.constant 7.000000e+00 : f32
        %max3A_633 = vector.broadcast %jit3A_631 : f32 to vector<16xf32>
        %max3A_634 = arith.maximumf %max3A_633, %mul3A_630 : vector<16xf32>
        %min3A_635 = vector.broadcast %jit3A_632 : f32 to vector<16xf32>
        %min3A_636 = arith.minimumf %min3A_635, %max3A_634 : vector<16xf32>
        %convert_element_type3A_637 = arith.fptosi %min3A_636 : vector<16xf32> to vector<16xi32>
        %mul3A_638 = arith.constant 8 : i32
        %mul3A_639 = vector.broadcast %mul3A_638 : i32 to vector<16xi32>
        %mul3A_640 = arith.muli %convert_element_type3A_637, %mul3A_639 : vector<16xi32>
        %convert_element_type3A_641 = arith.fptosi %min3A_624 : vector<16xf32> to vector<16xi32>
        %add3A_642 = arith.addi %mul3A_640, %convert_element_type3A_641 : vector<16xi32>
        %add3A_643 = arith.constant 6 : i32
        %add3A_644 = arith.addi %add3A_12, %add3A_643 : i32
        %broadcast_in_dim3A_645 = vector.broadcast %add3A_644 : i32 to vector<16xi32>
        %ne3A_646 = arith.cmpi ne, %add3A_259, %broadcast_in_dim3A_645 : vector<16xi32>
        %and3A_647 = arith.andi %and3A_612, %ne3A_646 : vector<16xi1>
        %jit3A_648 = arith.constant 64 : i32
        %broadcast_in_dim3A_649 = vector.broadcast %jit3A_648 : i32 to vector<16xi32>
        %select_n3A_650 = arith.select %and3A_647, %add3A_642, %broadcast_in_dim3A_649 : vector<16xi1>, vector<16xi32>
        %mul3A_651 = arith.constant 64 : i32
        %mul3A_652 = vector.broadcast %mul3A_651 : i32 to vector<16xi32>
        %mul3A_653 = arith.muli %select_n3A_650, %mul3A_652 : vector<16xi32>
        %mul3A_654 = arith.constant 16 : i32
        %mul3A_655 = vector.broadcast %mul3A_654 : i32 to vector<16xi32>
        %mul3A_656 = arith.muli %add3A_259, %mul3A_655 : vector<16xi32>
        %add3A_657 = arith.constant 6 : i32
        %add3A_658 = vector.broadcast %add3A_657 : i32 to vector<16xi32>
        %add3A_659 = arith.addi %mul3A_656, %add3A_658 : vector<16xi32>
        tpu.vector_store_idx %arg8[%add3A_659], %mul3A_653 : memref<16384xi32, #tpu.memory_space<vmem>>[vector<16xi32>], vector<16xi32>,
        %sub3A_660 = arith.subf %get3A_261, %gather3A_60 : vector<16xf32>
        %sub3A_661 = arith.subf %get3A_263, %gather3A_100 : vector<16xf32>
        %abs3A_662 = math.absf %sub3A_660 : vector<16xf32>
        %le3A_663 = arith.constant 1.600000e+01 : f32
        %le3A_664 = vector.broadcast %le3A_663 : f32 to vector<16xf32>
        %le3A_665 = arith.cmpf ole, %abs3A_662, %le3A_664 : vector<16xf32>
        %abs3A_666 = math.absf %sub3A_661 : vector<16xf32>
        %le3A_667 = arith.constant 1.600000e+01 : f32
        %le3A_668 = vector.broadcast %le3A_667 : f32 to vector<16xf32>
        %le3A_669 = arith.cmpf ole, %abs3A_666, %le3A_668 : vector<16xf32>
        %and3A_670 = arith.andi %le3A_665, %le3A_669 : vector<16xi1>
        %add3A_671 = arith.constant 1.600000e+01 : f32
        %add3A_672 = vector.broadcast %add3A_671 : f32 to vector<16xf32>
        %add3A_673 = arith.addf %sub3A_660, %add3A_672 : vector<16xf32>
        %mul3A_674 = arith.constant 2.500000e-01 : f32
        %mul3A_675 = vector.broadcast %mul3A_674 : f32 to vector<16xf32>
        %mul3A_676 = arith.mulf %add3A_673, %mul3A_675 : vector<16xf32>
        %jit3A_677 = arith.constant 0.000000e+00 : f32
        %jit3A_678 = arith.constant 7.000000e+00 : f32
        %max3A_679 = vector.broadcast %jit3A_677 : f32 to vector<16xf32>
        %max3A_680 = arith.maximumf %max3A_679, %mul3A_676 : vector<16xf32>
        %min3A_681 = vector.broadcast %jit3A_678 : f32 to vector<16xf32>
        %min3A_682 = arith.minimumf %min3A_681, %max3A_680 : vector<16xf32>
        %add3A_683 = arith.constant 1.600000e+01 : f32
        %add3A_684 = vector.broadcast %add3A_683 : f32 to vector<16xf32>
        %add3A_685 = arith.addf %sub3A_661, %add3A_684 : vector<16xf32>
        %mul3A_686 = arith.constant 2.500000e-01 : f32
        %mul3A_687 = vector.broadcast %mul3A_686 : f32 to vector<16xf32>
        %mul3A_688 = arith.mulf %add3A_685, %mul3A_687 : vector<16xf32>
        %jit3A_689 = arith.constant 0.000000e+00 : f32
        %jit3A_690 = arith.constant 7.000000e+00 : f32
        %max3A_691 = vector.broadcast %jit3A_689 : f32 to vector<16xf32>
        %max3A_692 = arith.maximumf %max3A_691, %mul3A_688 : vector<16xf32>
        %min3A_693 = vector.broadcast %jit3A_690 : f32 to vector<16xf32>
        %min3A_694 = arith.minimumf %min3A_693, %max3A_692 : vector<16xf32>
        %convert_element_type3A_695 = arith.fptosi %min3A_694 : vector<16xf32> to vector<16xi32>
        %mul3A_696 = arith.constant 8 : i32
        %mul3A_697 = vector.broadcast %mul3A_696 : i32 to vector<16xi32>
        %mul3A_698 = arith.muli %convert_element_type3A_695, %mul3A_697 : vector<16xi32>
        %convert_element_type3A_699 = arith.fptosi %min3A_682 : vector<16xf32> to vector<16xi32>
        %add3A_700 = arith.addi %mul3A_698, %convert_element_type3A_699 : vector<16xi32>
        %add3A_701 = arith.constant 7 : i32
        %add3A_702 = arith.addi %add3A_12, %add3A_701 : i32
        %broadcast_in_dim3A_703 = vector.broadcast %add3A_702 : i32 to vector<16xi32>
        %ne3A_704 = arith.cmpi ne, %add3A_259, %broadcast_in_dim3A_703 : vector<16xi32>
        %and3A_705 = arith.andi %and3A_670, %ne3A_704 : vector<16xi1>
        %jit3A_706 = arith.constant 64 : i32
        %broadcast_in_dim3A_707 = vector.broadcast %jit3A_706 : i32 to vector<16xi32>
        %select_n3A_708 = arith.select %and3A_705, %add3A_700, %broadcast_in_dim3A_707 : vector<16xi1>, vector<16xi32>
        %mul3A_709 = arith.constant 64 : i32
        %mul3A_710 = vector.broadcast %mul3A_709 : i32 to vector<16xi32>
        %mul3A_711 = arith.muli %select_n3A_708, %mul3A_710 : vector<16xi32>
        %mul3A_712 = arith.constant 16 : i32
        %mul3A_713 = vector.broadcast %mul3A_712 : i32 to vector<16xi32>
        %mul3A_714 = arith.muli %add3A_259, %mul3A_713 : vector<16xi32>
        %add3A_715 = arith.constant 7 : i32
        %add3A_716 = vector.broadcast %add3A_715 : i32 to vector<16xi32>
        %add3A_717 = arith.addi %mul3A_714, %add3A_716 : vector<16xi32>
        tpu.vector_store_idx %arg8[%add3A_717], %mul3A_711 : memref<16384xi32, #tpu.memory_space<vmem>>[vector<16xi32>], vector<16xi32>,
      }
      %scan3A_106 = arith.constant 64 : i32
      %scan3A_107 = arith.constant 0 : i32
      %scan3A_108 = arith.constant 0 : i32
      %scan3A_109 = arith.constant 1024 : i32
      %scan3A_110 = arith.addi %scan3A_108, %scan3A_109 : i32
      %scan3A_111 = arith.constant 1 : i32
      scf.for %scan3A_255 = %scan3A_108 to %scan3A_110 step %scan3A_111  : i32 {
        %mul3A_256 = arith.constant 16 : i32
        %mul3A_257 = arith.muli %scan3A_255, %mul3A_256 : i32
        %get3A_258 = arith.index_cast %mul3A_257 : i32 to index
        %get3A_259 = tpu.vector_load %arg8[%get3A_258] {strides = array<i32>} : memref<16384xi32, #tpu.memory_space<vmem>>, vector<16xi32>,
        %mul3A_260 = arith.constant 64 : i32
        %mul3A_261 = arith.muli %scan3A_255, %mul3A_260 : i32
        %add3A_262 = arith.constant 0 : i32
        %add3A_263 = arith.addi %mul3A_261, %add3A_262 : i32
        %get3A_264 = arith.index_cast %add3A_263 : i32 to index
        %get3A_265 = tpu.vector_load %arg9[%get3A_264] {strides = array<i32>} : memref<65536xf32, #tpu.memory_space<vmem>>, vector<16xf32>,
        %bitcast3A = vector.bitcast %get3A_265 : vector<16xf32> to vector<32xbf16>
        %mul3A_266 = arith.constant 64 : i32
        %mul3A_267 = arith.muli %scan3A_255, %mul3A_266 : i32
        %add3A_268 = arith.constant 16 : i32
        %add3A_269 = arith.addi %mul3A_267, %add3A_268 : i32
        %get3A_270 = arith.index_cast %add3A_269 : i32 to index
        %get3A_271 = tpu.vector_load %arg9[%get3A_270] {strides = array<i32>} : memref<65536xf32, #tpu.memory_space<vmem>>, vector<16xf32>,
        %bitcast3A_272 = vector.bitcast %get3A_271 : vector<16xf32> to vector<32xbf16>
        %mul3A_273 = arith.constant 64 : i32
        %mul3A_274 = arith.muli %scan3A_255, %mul3A_273 : i32
        %add3A_275 = arith.constant 32 : i32
        %add3A_276 = arith.addi %mul3A_274, %add3A_275 : i32
        %get3A_277 = arith.index_cast %add3A_276 : i32 to index
        %get3A_278 = tpu.vector_load %arg9[%get3A_277] {strides = array<i32>} : memref<65536xf32, #tpu.memory_space<vmem>>, vector<16xf32>,
        %bitcast3A_279 = vector.bitcast %get3A_278 : vector<16xf32> to vector<32xbf16>
        %mul3A_280 = arith.constant 64 : i32
        %mul3A_281 = arith.muli %scan3A_255, %mul3A_280 : i32
        %add3A_282 = arith.constant 48 : i32
        %add3A_283 = arith.addi %mul3A_281, %add3A_282 : i32
        %get3A_284 = arith.index_cast %add3A_283 : i32 to index
        %get3A_285 = tpu.vector_load %arg9[%get3A_284] {strides = array<i32>} : memref<65536xf32, #tpu.memory_space<vmem>>, vector<16xf32>,
        %bitcast3A_286 = vector.bitcast %get3A_285 : vector<16xf32> to vector<32xbf16>
        %broadcast_in_dim3A_287 = arith.constant 0 : i32
        %broadcast_in_dim3A_288 = vector.broadcast %broadcast_in_dim3A_287 : i32 to vector<16xi32>
        %broadcast_in_dim3A_289 = vector.shape_cast %broadcast_in_dim3A_288 : vector<16xi32> to vector<16x1xi32>
        %gather3A_290 = vector.shape_cast %broadcast_in_dim3A_289 : vector<16x1xi32> to vector<16xi32>
        %gather3A_291 = tpu.dynamic_gather %get3A_259[%gather3A_290] in [0] : vector<16xi32>, vector<16xi32> -> vector<16xi32>
        %broadcast_in_dim3A_292 = arith.constant 1 : i32
        %broadcast_in_dim3A_293 = vector.broadcast %broadcast_in_dim3A_292 : i32 to vector<16xi32>
        %broadcast_in_dim3A_294 = vector.shape_cast %broadcast_in_dim3A_293 : vector<16xi32> to vector<16x1xi32>
        %gather3A_295 = vector.shape_cast %broadcast_in_dim3A_294 : vector<16x1xi32> to vector<16xi32>
        %gather3A_296 = tpu.dynamic_gather %get3A_259[%gather3A_295] in [0] : vector<16xi32>, vector<16xi32> -> vector<16xi32>
        %broadcast_in_dim3A_297 = arith.constant 2 : i32
        %broadcast_in_dim3A_298 = vector.broadcast %broadcast_in_dim3A_297 : i32 to vector<16xi32>
        %broadcast_in_dim3A_299 = vector.shape_cast %broadcast_in_dim3A_298 : vector<16xi32> to vector<16x1xi32>
        %gather3A_300 = vector.shape_cast %broadcast_in_dim3A_299 : vector<16x1xi32> to vector<16xi32>
        %gather3A_301 = tpu.dynamic_gather %get3A_259[%gather3A_300] in [0] : vector<16xi32>, vector<16xi32> -> vector<16xi32>
        %broadcast_in_dim3A_302 = arith.constant 3 : i32
        %broadcast_in_dim3A_303 = vector.broadcast %broadcast_in_dim3A_302 : i32 to vector<16xi32>
        %broadcast_in_dim3A_304 = vector.shape_cast %broadcast_in_dim3A_303 : vector<16xi32> to vector<16x1xi32>
        %gather3A_305 = vector.shape_cast %broadcast_in_dim3A_304 : vector<16x1xi32> to vector<16xi32>
        %gather3A_306 = tpu.dynamic_gather %get3A_259[%gather3A_305] in [0] : vector<16xi32>, vector<16xi32> -> vector<16xi32>
        %broadcast_in_dim3A_307 = arith.constant 4 : i32
        %broadcast_in_dim3A_308 = vector.broadcast %broadcast_in_dim3A_307 : i32 to vector<16xi32>
        %broadcast_in_dim3A_309 = vector.shape_cast %broadcast_in_dim3A_308 : vector<16xi32> to vector<16x1xi32>
        %gather3A_310 = vector.shape_cast %broadcast_in_dim3A_309 : vector<16x1xi32> to vector<16xi32>
        %gather3A_311 = tpu.dynamic_gather %get3A_259[%gather3A_310] in [0] : vector<16xi32>, vector<16xi32> -> vector<16xi32>
        %broadcast_in_dim3A_312 = arith.constant 5 : i32
        %broadcast_in_dim3A_313 = vector.broadcast %broadcast_in_dim3A_312 : i32 to vector<16xi32>
        %broadcast_in_dim3A_314 = vector.shape_cast %broadcast_in_dim3A_313 : vector<16xi32> to vector<16x1xi32>
        %gather3A_315 = vector.shape_cast %broadcast_in_dim3A_314 : vector<16x1xi32> to vector<16xi32>
        %gather3A_316 = tpu.dynamic_gather %get3A_259[%gather3A_315] in [0] : vector<16xi32>, vector<16xi32> -> vector<16xi32>
        %broadcast_in_dim3A_317 = arith.constant 6 : i32
        %broadcast_in_dim3A_318 = vector.broadcast %broadcast_in_dim3A_317 : i32 to vector<16xi32>
        %broadcast_in_dim3A_319 = vector.shape_cast %broadcast_in_dim3A_318 : vector<16xi32> to vector<16x1xi32>
        %gather3A_320 = vector.shape_cast %broadcast_in_dim3A_319 : vector<16x1xi32> to vector<16xi32>
        %gather3A_321 = tpu.dynamic_gather %get3A_259[%gather3A_320] in [0] : vector<16xi32>, vector<16xi32> -> vector<16xi32>
        %broadcast_in_dim3A_322 = arith.constant 7 : i32
        %broadcast_in_dim3A_323 = vector.broadcast %broadcast_in_dim3A_322 : i32 to vector<16xi32>
        %broadcast_in_dim3A_324 = vector.shape_cast %broadcast_in_dim3A_323 : vector<16xi32> to vector<16x1xi32>
        %gather3A_325 = vector.shape_cast %broadcast_in_dim3A_324 : vector<16x1xi32> to vector<16xi32>
        %gather3A_326 = tpu.dynamic_gather %get3A_259[%gather3A_325] in [0] : vector<16xi32>, vector<16xi32> -> vector<16xi32>
        %add3A_327 = arith.constant 0 : i32
        %add3A_328 = vector.broadcast %add3A_327 : i32 to vector<16xi32>
        %add3A_329 = arith.addi %add3A_328, %iota3A : vector<16xi32>
        %add3A_330 = arith.constant 16 : i32
        %add3A_331 = vector.broadcast %add3A_330 : i32 to vector<16xi32>
        %add3A_332 = arith.addi %add3A_331, %iota3A : vector<16xi32>
        %add3A_333 = arith.constant 32 : i32
        %add3A_334 = vector.broadcast %add3A_333 : i32 to vector<16xi32>
        %add3A_335 = arith.addi %add3A_334, %iota3A : vector<16xi32>
        %add3A_336 = arith.constant 48 : i32
        %add3A_337 = vector.broadcast %add3A_336 : i32 to vector<16xi32>
        %add3A_338 = arith.addi %add3A_337, %iota3A : vector<16xi32>
        %add3A_339 = arith.addi %gather3A_291, %add3A_329 : vector<16xi32>
        %gather3A_340 = tpu.vector_load_idx %arg11[%add3A_339] : memref<4160xf32, #tpu.memory_space<vmem>>[vector<16xi32>], vector<16xf32>,
        %add3A_341 = arith.addi %gather3A_296, %add3A_329 : vector<16xi32>
        %gather3A_342 = tpu.vector_load_idx %arg12[%add3A_341] : memref<4160xf32, #tpu.memory_space<vmem>>[vector<16xi32>], vector<16xf32>,
        %add3A_343 = arith.addi %gather3A_301, %add3A_329 : vector<16xi32>
        %gather3A_344 = tpu.vector_load_idx %arg13[%add3A_343] : memref<4160xf32, #tpu.memory_space<vmem>>[vector<16xi32>], vector<16xf32>,
        %add3A_345 = arith.addi %gather3A_306, %add3A_329 : vector<16xi32>
        %gather3A_346 = tpu.vector_load_idx %arg14[%add3A_345] : memref<4160xf32, #tpu.memory_space<vmem>>[vector<16xi32>], vector<16xf32>,
        %add3A_347 = arith.addi %gather3A_311, %add3A_329 : vector<16xi32>
        %gather3A_348 = tpu.vector_load_idx %arg15[%add3A_347] : memref<4160xf32, #tpu.memory_space<vmem>>[vector<16xi32>], vector<16xf32>,
        %add3A_349 = arith.addi %gather3A_316, %add3A_329 : vector<16xi32>
        %gather3A_350 = tpu.vector_load_idx %arg16[%add3A_349] : memref<4160xf32, #tpu.memory_space<vmem>>[vector<16xi32>], vector<16xf32>,
        %add3A_351 = arith.addi %gather3A_321, %add3A_329 : vector<16xi32>
        %gather3A_352 = tpu.vector_load_idx %arg17[%add3A_351] : memref<4160xf32, #tpu.memory_space<vmem>>[vector<16xi32>], vector<16xf32>,
        %add3A_353 = arith.addi %gather3A_326, %add3A_329 : vector<16xi32>
        %gather3A_354 = tpu.vector_load_idx %arg18[%add3A_353] : memref<4160xf32, #tpu.memory_space<vmem>>[vector<16xi32>], vector<16xf32>,
        %add3A_355 = arith.addi %gather3A_291, %add3A_332 : vector<16xi32>
        %gather3A_356 = tpu.vector_load_idx %arg11[%add3A_355] : memref<4160xf32, #tpu.memory_space<vmem>>[vector<16xi32>], vector<16xf32>,
        %add3A_357 = arith.addi %gather3A_296, %add3A_332 : vector<16xi32>
        %gather3A_358 = tpu.vector_load_idx %arg12[%add3A_357] : memref<4160xf32, #tpu.memory_space<vmem>>[vector<16xi32>], vector<16xf32>,
        %add3A_359 = arith.addi %gather3A_301, %add3A_332 : vector<16xi32>
        %gather3A_360 = tpu.vector_load_idx %arg13[%add3A_359] : memref<4160xf32, #tpu.memory_space<vmem>>[vector<16xi32>], vector<16xf32>,
        %add3A_361 = arith.addi %gather3A_306, %add3A_332 : vector<16xi32>
        %gather3A_362 = tpu.vector_load_idx %arg14[%add3A_361] : memref<4160xf32, #tpu.memory_space<vmem>>[vector<16xi32>], vector<16xf32>,
        %add3A_363 = arith.addi %gather3A_311, %add3A_332 : vector<16xi32>
        %gather3A_364 = tpu.vector_load_idx %arg15[%add3A_363] : memref<4160xf32, #tpu.memory_space<vmem>>[vector<16xi32>], vector<16xf32>,
        %add3A_365 = arith.addi %gather3A_316, %add3A_332 : vector<16xi32>
        %gather3A_366 = tpu.vector_load_idx %arg16[%add3A_365] : memref<4160xf32, #tpu.memory_space<vmem>>[vector<16xi32>], vector<16xf32>,
        %add3A_367 = arith.addi %gather3A_321, %add3A_332 : vector<16xi32>
        %gather3A_368 = tpu.vector_load_idx %arg17[%add3A_367] : memref<4160xf32, #tpu.memory_space<vmem>>[vector<16xi32>], vector<16xf32>,
        %add3A_369 = arith.addi %gather3A_326, %add3A_332 : vector<16xi32>
        %gather3A_370 = tpu.vector_load_idx %arg18[%add3A_369] : memref<4160xf32, #tpu.memory_space<vmem>>[vector<16xi32>], vector<16xf32>,
        %bitcast3A_371 = vector.bitcast %gather3A_340 : vector<16xf32> to vector<32xbf16>
        %max3A = arith.maximumf %bitcast3A_371, %bitcast3A : vector<32xbf16>
        %bitcast3A_372 = vector.bitcast %max3A : vector<32xbf16> to vector<16xf32>
        %bitcast3A_373 = vector.bitcast %gather3A_342 : vector<16xf32> to vector<32xbf16>
        %max3A_374 = arith.maximumf %bitcast3A_373, %bitcast3A : vector<32xbf16>
        %bitcast3A_375 = vector.bitcast %max3A_374 : vector<32xbf16> to vector<16xf32>
        %bitcast3A_376 = vector.bitcast %gather3A_344 : vector<16xf32> to vector<32xbf16>
        %max3A_377 = arith.maximumf %bitcast3A_376, %bitcast3A : vector<32xbf16>
        %bitcast3A_378 = vector.bitcast %max3A_377 : vector<32xbf16> to vector<16xf32>
        %bitcast3A_379 = vector.bitcast %gather3A_346 : vector<16xf32> to vector<32xbf16>
        %max3A_380 = arith.maximumf %bitcast3A_379, %bitcast3A : vector<32xbf16>
        %bitcast3A_381 = vector.bitcast %max3A_380 : vector<32xbf16> to vector<16xf32>
        %bitcast3A_382 = vector.bitcast %gather3A_348 : vector<16xf32> to vector<32xbf16>
        %max3A_383 = arith.maximumf %bitcast3A_382, %bitcast3A : vector<32xbf16>
        %bitcast3A_384 = vector.bitcast %max3A_383 : vector<32xbf16> to vector<16xf32>
        %bitcast3A_385 = vector.bitcast %gather3A_350 : vector<16xf32> to vector<32xbf16>
        %max3A_386 = arith.maximumf %bitcast3A_385, %bitcast3A : vector<32xbf16>
        %bitcast3A_387 = vector.bitcast %max3A_386 : vector<32xbf16> to vector<16xf32>
        %bitcast3A_388 = vector.bitcast %gather3A_352 : vector<16xf32> to vector<32xbf16>
        %max3A_389 = arith.maximumf %bitcast3A_388, %bitcast3A : vector<32xbf16>
        %bitcast3A_390 = vector.bitcast %max3A_389 : vector<32xbf16> to vector<16xf32>
        %bitcast3A_391 = vector.bitcast %gather3A_354 : vector<16xf32> to vector<32xbf16>
        %max3A_392 = arith.maximumf %bitcast3A_391, %bitcast3A : vector<32xbf16>
        %bitcast3A_393 = vector.bitcast %max3A_392 : vector<32xbf16> to vector<16xf32>
        %add3A_394 = arith.addi %gather3A_291, %add3A_335 : vector<16xi32>
        %gather3A_395 = tpu.vector_load_idx %arg11[%add3A_394] : memref<4160xf32, #tpu.memory_space<vmem>>[vector<16xi32>], vector<16xf32>,
        %add3A_396 = arith.addi %gather3A_296, %add3A_335 : vector<16xi32>
        %gather3A_397 = tpu.vector_load_idx %arg12[%add3A_396] : memref<4160xf32, #tpu.memory_space<vmem>>[vector<16xi32>], vector<16xf32>,
        %add3A_398 = arith.addi %gather3A_301, %add3A_335 : vector<16xi32>
        %gather3A_399 = tpu.vector_load_idx %arg13[%add3A_398] : memref<4160xf32, #tpu.memory_space<vmem>>[vector<16xi32>], vector<16xf32>,
        %add3A_400 = arith.addi %gather3A_306, %add3A_335 : vector<16xi32>
        %gather3A_401 = tpu.vector_load_idx %arg14[%add3A_400] : memref<4160xf32, #tpu.memory_space<vmem>>[vector<16xi32>], vector<16xf32>,
        %add3A_402 = arith.addi %gather3A_311, %add3A_335 : vector<16xi32>
        %gather3A_403 = tpu.vector_load_idx %arg15[%add3A_402] : memref<4160xf32, #tpu.memory_space<vmem>>[vector<16xi32>], vector<16xf32>,
        %add3A_404 = arith.addi %gather3A_316, %add3A_335 : vector<16xi32>
        %gather3A_405 = tpu.vector_load_idx %arg16[%add3A_404] : memref<4160xf32, #tpu.memory_space<vmem>>[vector<16xi32>], vector<16xf32>,
        %add3A_406 = arith.addi %gather3A_321, %add3A_335 : vector<16xi32>
        %gather3A_407 = tpu.vector_load_idx %arg17[%add3A_406] : memref<4160xf32, #tpu.memory_space<vmem>>[vector<16xi32>], vector<16xf32>,
        %add3A_408 = arith.addi %gather3A_326, %add3A_335 : vector<16xi32>
        %gather3A_409 = tpu.vector_load_idx %arg18[%add3A_408] : memref<4160xf32, #tpu.memory_space<vmem>>[vector<16xi32>], vector<16xf32>,
        %bitcast3A_410 = vector.bitcast %gather3A_356 : vector<16xf32> to vector<32xbf16>
        %max3A_411 = arith.maximumf %bitcast3A_410, %bitcast3A_272 : vector<32xbf16>
        %bitcast3A_412 = vector.bitcast %max3A_411 : vector<32xbf16> to vector<16xf32>
        %bitcast3A_413 = vector.bitcast %gather3A_358 : vector<16xf32> to vector<32xbf16>
        %max3A_414 = arith.maximumf %bitcast3A_413, %bitcast3A_272 : vector<32xbf16>
        %bitcast3A_415 = vector.bitcast %max3A_414 : vector<32xbf16> to vector<16xf32>
        %bitcast3A_416 = vector.bitcast %gather3A_360 : vector<16xf32> to vector<32xbf16>
        %max3A_417 = arith.maximumf %bitcast3A_416, %bitcast3A_272 : vector<32xbf16>
        %bitcast3A_418 = vector.bitcast %max3A_417 : vector<32xbf16> to vector<16xf32>
        %bitcast3A_419 = vector.bitcast %gather3A_362 : vector<16xf32> to vector<32xbf16>
        %max3A_420 = arith.maximumf %bitcast3A_419, %bitcast3A_272 : vector<32xbf16>
        %bitcast3A_421 = vector.bitcast %max3A_420 : vector<32xbf16> to vector<16xf32>
        %bitcast3A_422 = vector.bitcast %gather3A_364 : vector<16xf32> to vector<32xbf16>
        %max3A_423 = arith.maximumf %bitcast3A_422, %bitcast3A_272 : vector<32xbf16>
        %bitcast3A_424 = vector.bitcast %max3A_423 : vector<32xbf16> to vector<16xf32>
        %bitcast3A_425 = vector.bitcast %gather3A_366 : vector<16xf32> to vector<32xbf16>
        %max3A_426 = arith.maximumf %bitcast3A_425, %bitcast3A_272 : vector<32xbf16>
        %bitcast3A_427 = vector.bitcast %max3A_426 : vector<32xbf16> to vector<16xf32>
        %bitcast3A_428 = vector.bitcast %gather3A_368 : vector<16xf32> to vector<32xbf16>
        %max3A_429 = arith.maximumf %bitcast3A_428, %bitcast3A_272 : vector<32xbf16>
        %bitcast3A_430 = vector.bitcast %max3A_429 : vector<32xbf16> to vector<16xf32>
        %bitcast3A_431 = vector.bitcast %gather3A_370 : vector<16xf32> to vector<32xbf16>
        %max3A_432 = arith.maximumf %bitcast3A_431, %bitcast3A_272 : vector<32xbf16>
        %bitcast3A_433 = vector.bitcast %max3A_432 : vector<32xbf16> to vector<16xf32>
        %add3A_434 = arith.addi %gather3A_291, %add3A_329 : vector<16xi32>
        tpu.vector_store_idx %arg11[%add3A_434], %bitcast3A_372 : memref<4160xf32, #tpu.memory_space<vmem>>[vector<16xi32>], vector<16xf32>,
        %add3A_435 = arith.addi %gather3A_296, %add3A_329 : vector<16xi32>
        tpu.vector_store_idx %arg12[%add3A_435], %bitcast3A_375 : memref<4160xf32, #tpu.memory_space<vmem>>[vector<16xi32>], vector<16xf32>,
        %add3A_436 = arith.addi %gather3A_301, %add3A_329 : vector<16xi32>
        tpu.vector_store_idx %arg13[%add3A_436], %bitcast3A_378 : memref<4160xf32, #tpu.memory_space<vmem>>[vector<16xi32>], vector<16xf32>,
        %add3A_437 = arith.addi %gather3A_306, %add3A_329 : vector<16xi32>
        tpu.vector_store_idx %arg14[%add3A_437], %bitcast3A_381 : memref<4160xf32, #tpu.memory_space<vmem>>[vector<16xi32>], vector<16xf32>,
        %add3A_438 = arith.addi %gather3A_311, %add3A_329 : vector<16xi32>
        tpu.vector_store_idx %arg15[%add3A_438], %bitcast3A_384 : memref<4160xf32, #tpu.memory_space<vmem>>[vector<16xi32>], vector<16xf32>,
        %add3A_439 = arith.addi %gather3A_316, %add3A_329 : vector<16xi32>
        tpu.vector_store_idx %arg16[%add3A_439], %bitcast3A_387 : memref<4160xf32, #tpu.memory_space<vmem>>[vector<16xi32>], vector<16xf32>,
        %add3A_440 = arith.addi %gather3A_321, %add3A_329 : vector<16xi32>
        tpu.vector_store_idx %arg17[%add3A_440], %bitcast3A_390 : memref<4160xf32, #tpu.memory_space<vmem>>[vector<16xi32>], vector<16xf32>,
        %add3A_441 = arith.addi %gather3A_326, %add3A_329 : vector<16xi32>
        tpu.vector_store_idx %arg18[%add3A_441], %bitcast3A_393 : memref<4160xf32, #tpu.memory_space<vmem>>[vector<16xi32>], vector<16xf32>,
        %add3A_442 = arith.addi %gather3A_291, %add3A_338 : vector<16xi32>
        %gather3A_443 = tpu.vector_load_idx %arg11[%add3A_442] : memref<4160xf32, #tpu.memory_space<vmem>>[vector<16xi32>], vector<16xf32>,
        %add3A_444 = arith.addi %gather3A_296, %add3A_338 : vector<16xi32>
        %gather3A_445 = tpu.vector_load_idx %arg12[%add3A_444] : memref<4160xf32, #tpu.memory_space<vmem>>[vector<16xi32>], vector<16xf32>,
        %add3A_446 = arith.addi %gather3A_301, %add3A_338 : vector<16xi32>
        %gather3A_447 = tpu.vector_load_idx %arg13[%add3A_446] : memref<4160xf32, #tpu.memory_space<vmem>>[vector<16xi32>], vector<16xf32>,
        %add3A_448 = arith.addi %gather3A_306, %add3A_338 : vector<16xi32>
        %gather3A_449 = tpu.vector_load_idx %arg14[%add3A_448] : memref<4160xf32, #tpu.memory_space<vmem>>[vector<16xi32>], vector<16xf32>,
        %add3A_450 = arith.addi %gather3A_311, %add3A_338 : vector<16xi32>
        %gather3A_451 = tpu.vector_load_idx %arg15[%add3A_450] : memref<4160xf32, #tpu.memory_space<vmem>>[vector<16xi32>], vector<16xf32>,
        %add3A_452 = arith.addi %gather3A_316, %add3A_338 : vector<16xi32>
        %gather3A_453 = tpu.vector_load_idx %arg16[%add3A_452] : memref<4160xf32, #tpu.memory_space<vmem>>[vector<16xi32>], vector<16xf32>,
        %add3A_454 = arith.addi %gather3A_321, %add3A_338 : vector<16xi32>
        %gather3A_455 = tpu.vector_load_idx %arg17[%add3A_454] : memref<4160xf32, #tpu.memory_space<vmem>>[vector<16xi32>], vector<16xf32>,
        %add3A_456 = arith.addi %gather3A_326, %add3A_338 : vector<16xi32>
        %gather3A_457 = tpu.vector_load_idx %arg18[%add3A_456] : memref<4160xf32, #tpu.memory_space<vmem>>[vector<16xi32>], vector<16xf32>,
        %bitcast3A_458 = vector.bitcast %gather3A_395 : vector<16xf32> to vector<32xbf16>
        %max3A_459 = arith.maximumf %bitcast3A_458, %bitcast3A_279 : vector<32xbf16>
        %bitcast3A_460 = vector.bitcast %max3A_459 : vector<32xbf16> to vector<16xf32>
        %bitcast3A_461 = vector.bitcast %gather3A_397 : vector<16xf32> to vector<32xbf16>
        %max3A_462 = arith.maximumf %bitcast3A_461, %bitcast3A_279 : vector<32xbf16>
        %bitcast3A_463 = vector.bitcast %max3A_462 : vector<32xbf16> to vector<16xf32>
        %bitcast3A_464 = vector.bitcast %gather3A_399 : vector<16xf32> to vector<32xbf16>
        %max3A_465 = arith.maximumf %bitcast3A_464, %bitcast3A_279 : vector<32xbf16>
        %bitcast3A_466 = vector.bitcast %max3A_465 : vector<32xbf16> to vector<16xf32>
        %bitcast3A_467 = vector.bitcast %gather3A_401 : vector<16xf32> to vector<32xbf16>
        %max3A_468 = arith.maximumf %bitcast3A_467, %bitcast3A_279 : vector<32xbf16>
        %bitcast3A_469 = vector.bitcast %max3A_468 : vector<32xbf16> to vector<16xf32>
        %bitcast3A_470 = vector.bitcast %gather3A_403 : vector<16xf32> to vector<32xbf16>
        %max3A_471 = arith.maximumf %bitcast3A_470, %bitcast3A_279 : vector<32xbf16>
        %bitcast3A_472 = vector.bitcast %max3A_471 : vector<32xbf16> to vector<16xf32>
        %bitcast3A_473 = vector.bitcast %gather3A_405 : vector<16xf32> to vector<32xbf16>
        %max3A_474 = arith.maximumf %bitcast3A_473, %bitcast3A_279 : vector<32xbf16>
        %bitcast3A_475 = vector.bitcast %max3A_474 : vector<32xbf16> to vector<16xf32>
        %bitcast3A_476 = vector.bitcast %gather3A_407 : vector<16xf32> to vector<32xbf16>
        %max3A_477 = arith.maximumf %bitcast3A_476, %bitcast3A_279 : vector<32xbf16>
        %bitcast3A_478 = vector.bitcast %max3A_477 : vector<32xbf16> to vector<16xf32>
        %bitcast3A_479 = vector.bitcast %gather3A_409 : vector<16xf32> to vector<32xbf16>
        %max3A_480 = arith.maximumf %bitcast3A_479, %bitcast3A_279 : vector<32xbf16>
        %bitcast3A_481 = vector.bitcast %max3A_480 : vector<32xbf16> to vector<16xf32>
        %add3A_482 = arith.addi %gather3A_291, %add3A_332 : vector<16xi32>
        tpu.vector_store_idx %arg11[%add3A_482], %bitcast3A_412 : memref<4160xf32, #tpu.memory_space<vmem>>[vector<16xi32>], vector<16xf32>,
        %add3A_483 = arith.addi %gather3A_296, %add3A_332 : vector<16xi32>
        tpu.vector_store_idx %arg12[%add3A_483], %bitcast3A_415 : memref<4160xf32, #tpu.memory_space<vmem>>[vector<16xi32>], vector<16xf32>,
        %add3A_484 = arith.addi %gather3A_301, %add3A_332 : vector<16xi32>
        tpu.vector_store_idx %arg13[%add3A_484], %bitcast3A_418 : memref<4160xf32, #tpu.memory_space<vmem>>[vector<16xi32>], vector<16xf32>,
        %add3A_485 = arith.addi %gather3A_306, %add3A_332 : vector<16xi32>
        tpu.vector_store_idx %arg14[%add3A_485], %bitcast3A_421 : memref<4160xf32, #tpu.memory_space<vmem>>[vector<16xi32>], vector<16xf32>,
        %add3A_486 = arith.addi %gather3A_311, %add3A_332 : vector<16xi32>
        tpu.vector_store_idx %arg15[%add3A_486], %bitcast3A_424 : memref<4160xf32, #tpu.memory_space<vmem>>[vector<16xi32>], vector<16xf32>,
        %add3A_487 = arith.addi %gather3A_316, %add3A_332 : vector<16xi32>
        tpu.vector_store_idx %arg16[%add3A_487], %bitcast3A_427 : memref<4160xf32, #tpu.memory_space<vmem>>[vector<16xi32>], vector<16xf32>,
        %add3A_488 = arith.addi %gather3A_321, %add3A_332 : vector<16xi32>
        tpu.vector_store_idx %arg17[%add3A_488], %bitcast3A_430 : memref<4160xf32, #tpu.memory_space<vmem>>[vector<16xi32>], vector<16xf32>,
        %add3A_489 = arith.addi %gather3A_326, %add3A_332 : vector<16xi32>
        tpu.vector_store_idx %arg18[%add3A_489], %bitcast3A_433 : memref<4160xf32, #tpu.memory_space<vmem>>[vector<16xi32>], vector<16xf32>,
        %bitcast3A_490 = vector.bitcast %gather3A_443 : vector<16xf32> to vector<32xbf16>
        %max3A_491 = arith.maximumf %bitcast3A_490, %bitcast3A_286 : vector<32xbf16>
        %bitcast3A_492 = vector.bitcast %max3A_491 : vector<32xbf16> to vector<16xf32>
        %bitcast3A_493 = vector.bitcast %gather3A_445 : vector<16xf32> to vector<32xbf16>
        %max3A_494 = arith.maximumf %bitcast3A_493, %bitcast3A_286 : vector<32xbf16>
        %bitcast3A_495 = vector.bitcast %max3A_494 : vector<32xbf16> to vector<16xf32>
        %bitcast3A_496 = vector.bitcast %gather3A_447 : vector<16xf32> to vector<32xbf16>
        %max3A_497 = arith.maximumf %bitcast3A_496, %bitcast3A_286 : vector<32xbf16>
        %bitcast3A_498 = vector.bitcast %max3A_497 : vector<32xbf16> to vector<16xf32>
        %bitcast3A_499 = vector.bitcast %gather3A_449 : vector<16xf32> to vector<32xbf16>
        %max3A_500 = arith.maximumf %bitcast3A_499, %bitcast3A_286 : vector<32xbf16>
        %bitcast3A_501 = vector.bitcast %max3A_500 : vector<32xbf16> to vector<16xf32>
        %bitcast3A_502 = vector.bitcast %gather3A_451 : vector<16xf32> to vector<32xbf16>
        %max3A_503 = arith.maximumf %bitcast3A_502, %bitcast3A_286 : vector<32xbf16>
        %bitcast3A_504 = vector.bitcast %max3A_503 : vector<32xbf16> to vector<16xf32>
        %bitcast3A_505 = vector.bitcast %gather3A_453 : vector<16xf32> to vector<32xbf16>
        %max3A_506 = arith.maximumf %bitcast3A_505, %bitcast3A_286 : vector<32xbf16>
        %bitcast3A_507 = vector.bitcast %max3A_506 : vector<32xbf16> to vector<16xf32>
        %bitcast3A_508 = vector.bitcast %gather3A_455 : vector<16xf32> to vector<32xbf16>
        %max3A_509 = arith.maximumf %bitcast3A_508, %bitcast3A_286 : vector<32xbf16>
        %bitcast3A_510 = vector.bitcast %max3A_509 : vector<32xbf16> to vector<16xf32>
        %bitcast3A_511 = vector.bitcast %gather3A_457 : vector<16xf32> to vector<32xbf16>
        %max3A_512 = arith.maximumf %bitcast3A_511, %bitcast3A_286 : vector<32xbf16>
        %bitcast3A_513 = vector.bitcast %max3A_512 : vector<32xbf16> to vector<16xf32>
        %add3A_514 = arith.addi %gather3A_291, %add3A_335 : vector<16xi32>
        tpu.vector_store_idx %arg11[%add3A_514], %bitcast3A_460 : memref<4160xf32, #tpu.memory_space<vmem>>[vector<16xi32>], vector<16xf32>,
        %add3A_515 = arith.addi %gather3A_296, %add3A_335 : vector<16xi32>
        tpu.vector_store_idx %arg12[%add3A_515], %bitcast3A_463 : memref<4160xf32, #tpu.memory_space<vmem>>[vector<16xi32>], vector<16xf32>,
        %add3A_516 = arith.addi %gather3A_301, %add3A_335 : vector<16xi32>
        tpu.vector_store_idx %arg13[%add3A_516], %bitcast3A_466 : memref<4160xf32, #tpu.memory_space<vmem>>[vector<16xi32>], vector<16xf32>,
        %add3A_517 = arith.addi %gather3A_306, %add3A_335 : vector<16xi32>
        tpu.vector_store_idx %arg14[%add3A_517], %bitcast3A_469 : memref<4160xf32, #tpu.memory_space<vmem>>[vector<16xi32>], vector<16xf32>,
        %add3A_518 = arith.addi %gather3A_311, %add3A_335 : vector<16xi32>
        tpu.vector_store_idx %arg15[%add3A_518], %bitcast3A_472 : memref<4160xf32, #tpu.memory_space<vmem>>[vector<16xi32>], vector<16xf32>,
        %add3A_519 = arith.addi %gather3A_316, %add3A_335 : vector<16xi32>
        tpu.vector_store_idx %arg16[%add3A_519], %bitcast3A_475 : memref<4160xf32, #tpu.memory_space<vmem>>[vector<16xi32>], vector<16xf32>,
        %add3A_520 = arith.addi %gather3A_321, %add3A_335 : vector<16xi32>
        tpu.vector_store_idx %arg17[%add3A_520], %bitcast3A_478 : memref<4160xf32, #tpu.memory_space<vmem>>[vector<16xi32>], vector<16xf32>,
        %add3A_521 = arith.addi %gather3A_326, %add3A_335 : vector<16xi32>
        tpu.vector_store_idx %arg18[%add3A_521], %bitcast3A_481 : memref<4160xf32, #tpu.memory_space<vmem>>[vector<16xi32>], vector<16xf32>,
        %add3A_522 = arith.addi %gather3A_291, %add3A_338 : vector<16xi32>
        tpu.vector_store_idx %arg11[%add3A_522], %bitcast3A_492 : memref<4160xf32, #tpu.memory_space<vmem>>[vector<16xi32>], vector<16xf32>,
        %add3A_523 = arith.addi %gather3A_296, %add3A_338 : vector<16xi32>
        tpu.vector_store_idx %arg12[%add3A_523], %bitcast3A_495 : memref<4160xf32, #tpu.memory_space<vmem>>[vector<16xi32>], vector<16xf32>,
        %add3A_524 = arith.addi %gather3A_301, %add3A_338 : vector<16xi32>
        tpu.vector_store_idx %arg13[%add3A_524], %bitcast3A_498 : memref<4160xf32, #tpu.memory_space<vmem>>[vector<16xi32>], vector<16xf32>,
        %add3A_525 = arith.addi %gather3A_306, %add3A_338 : vector<16xi32>
        tpu.vector_store_idx %arg14[%add3A_525], %bitcast3A_501 : memref<4160xf32, #tpu.memory_space<vmem>>[vector<16xi32>], vector<16xf32>,
        %add3A_526 = arith.addi %gather3A_311, %add3A_338 : vector<16xi32>
        tpu.vector_store_idx %arg15[%add3A_526], %bitcast3A_504 : memref<4160xf32, #tpu.memory_space<vmem>>[vector<16xi32>], vector<16xf32>,
        %add3A_527 = arith.addi %gather3A_316, %add3A_338 : vector<16xi32>
        tpu.vector_store_idx %arg16[%add3A_527], %bitcast3A_507 : memref<4160xf32, #tpu.memory_space<vmem>>[vector<16xi32>], vector<16xf32>,
        %add3A_528 = arith.addi %gather3A_321, %add3A_338 : vector<16xi32>
        tpu.vector_store_idx %arg17[%add3A_528], %bitcast3A_510 : memref<4160xf32, #tpu.memory_space<vmem>>[vector<16xi32>], vector<16xf32>,
        %add3A_529 = arith.addi %gather3A_326, %add3A_338 : vector<16xi32>
        tpu.vector_store_idx %arg18[%add3A_529], %bitcast3A_513 : memref<4160xf32, #tpu.memory_space<vmem>>[vector<16xi32>], vector<16xf32>,
      }
      %scan3A_112 = arith.constant 1024 : i32
      %add3A_113 = arith.constant 0 : i32
      %add3A_114 = arith.addi %add3A_12, %add3A_113 : i32
      %mul3A_115 = arith.constant 64 : i32
      %mul3A_116 = arith.muli %add3A_114, %mul3A_115 : i32
      %mul3A_117 = arith.constant 64 : i32
      %mul3A_118 = arith.muli %mul3A_116, %mul3A_117 : i32
      %dma_start3A = arith.constant 0 : i32
      %dma_start3A_119 = tpu.memref_slice %arg11[%dma_start3A] : memref<4160xf32, #tpu.memory_space<vmem>> -> memref<4096xf32, #tpu.memory_space<vmem>>
      %dma_start3A_120 = tpu.memref_slice %arg5[%mul3A_118] : memref<4194304xf32, #tpu.memory_space<hbm>> -> memref<4096xf32, #tpu.memory_space<hbm>>
      %dma_start3A_121 = tpu.memref_slice %arg5[%mul3A_118] : memref<4194304xf32, #tpu.memory_space<hbm>> -> memref<4096xf32, #tpu.memory_space<hbm>>
      %dma_start3A_122 = arith.constant 0 : i32
      %dma_start3A_123 = tpu.memref_slice %arg11[%dma_start3A_122] : memref<4160xf32, #tpu.memory_space<vmem>> -> memref<4096xf32, #tpu.memory_space<vmem>>
      tpu.enqueue_dma source(%dma_start3A_123 : memref<4096xf32, #tpu.memory_space<vmem>>) target(%dma_start3A_121 : memref<4096xf32, #tpu.memory_space<hbm>>) target_semaphore(%arg10 : memref<!tpu.dma_semaphore, #tpu.memory_space<semaphore_mem>>)
      %add3A_124 = arith.constant 1 : i32
      %add3A_125 = arith.addi %add3A_12, %add3A_124 : i32
      %mul3A_126 = arith.constant 64 : i32
      %mul3A_127 = arith.muli %add3A_125, %mul3A_126 : i32
      %mul3A_128 = arith.constant 64 : i32
      %mul3A_129 = arith.muli %mul3A_127, %mul3A_128 : i32
      %dma_start3A_130 = arith.constant 0 : i32
      %dma_start3A_131 = tpu.memref_slice %arg12[%dma_start3A_130] : memref<4160xf32, #tpu.memory_space<vmem>> -> memref<4096xf32, #tpu.memory_space<vmem>>
      %dma_start3A_132 = tpu.memref_slice %arg5[%mul3A_129] : memref<4194304xf32, #tpu.memory_space<hbm>> -> memref<4096xf32, #tpu.memory_space<hbm>>
      %dma_start3A_133 = tpu.memref_slice %arg5[%mul3A_129] : memref<4194304xf32, #tpu.memory_space<hbm>> -> memref<4096xf32, #tpu.memory_space<hbm>>
      %dma_start3A_134 = arith.constant 0 : i32
      %dma_start3A_135 = tpu.memref_slice %arg12[%dma_start3A_134] : memref<4160xf32, #tpu.memory_space<vmem>> -> memref<4096xf32, #tpu.memory_space<vmem>>
      tpu.enqueue_dma source(%dma_start3A_135 : memref<4096xf32, #tpu.memory_space<vmem>>) target(%dma_start3A_133 : memref<4096xf32, #tpu.memory_space<hbm>>) target_semaphore(%arg10 : memref<!tpu.dma_semaphore, #tpu.memory_space<semaphore_mem>>)
      %add3A_136 = arith.constant 2 : i32
      %add3A_137 = arith.addi %add3A_12, %add3A_136 : i32
      %mul3A_138 = arith.constant 64 : i32
      %mul3A_139 = arith.muli %add3A_137, %mul3A_138 : i32
      %mul3A_140 = arith.constant 64 : i32
      %mul3A_141 = arith.muli %mul3A_139, %mul3A_140 : i32
      %dma_start3A_142 = arith.constant 0 : i32
      %dma_start3A_143 = tpu.memref_slice %arg13[%dma_start3A_142] : memref<4160xf32, #tpu.memory_space<vmem>> -> memref<4096xf32, #tpu.memory_space<vmem>>
      %dma_start3A_144 = tpu.memref_slice %arg5[%mul3A_141] : memref<4194304xf32, #tpu.memory_space<hbm>> -> memref<4096xf32, #tpu.memory_space<hbm>>
      %dma_start3A_145 = tpu.memref_slice %arg5[%mul3A_141] : memref<4194304xf32, #tpu.memory_space<hbm>> -> memref<4096xf32, #tpu.memory_space<hbm>>
      %dma_start3A_146 = arith.constant 0 : i32
      %dma_start3A_147 = tpu.memref_slice %arg13[%dma_start3A_146] : memref<4160xf32, #tpu.memory_space<vmem>> -> memref<4096xf32, #tpu.memory_space<vmem>>
      tpu.enqueue_dma source(%dma_start3A_147 : memref<4096xf32, #tpu.memory_space<vmem>>) target(%dma_start3A_145 : memref<4096xf32, #tpu.memory_space<hbm>>) target_semaphore(%arg10 : memref<!tpu.dma_semaphore, #tpu.memory_space<semaphore_mem>>)
      %add3A_148 = arith.constant 3 : i32
      %add3A_149 = arith.addi %add3A_12, %add3A_148 : i32
      %mul3A_150 = arith.constant 64 : i32
      %mul3A_151 = arith.muli %add3A_149, %mul3A_150 : i32
      %mul3A_152 = arith.constant 64 : i32
      %mul3A_153 = arith.muli %mul3A_151, %mul3A_152 : i32
      %dma_start3A_154 = arith.constant 0 : i32
      %dma_start3A_155 = tpu.memref_slice %arg14[%dma_start3A_154] : memref<4160xf32, #tpu.memory_space<vmem>> -> memref<4096xf32, #tpu.memory_space<vmem>>
      %dma_start3A_156 = tpu.memref_slice %arg5[%mul3A_153] : memref<4194304xf32, #tpu.memory_space<hbm>> -> memref<4096xf32, #tpu.memory_space<hbm>>
      %dma_start3A_157 = tpu.memref_slice %arg5[%mul3A_153] : memref<4194304xf32, #tpu.memory_space<hbm>> -> memref<4096xf32, #tpu.memory_space<hbm>>
      %dma_start3A_158 = arith.constant 0 : i32
      %dma_start3A_159 = tpu.memref_slice %arg14[%dma_start3A_158] : memref<4160xf32, #tpu.memory_space<vmem>> -> memref<4096xf32, #tpu.memory_space<vmem>>
      tpu.enqueue_dma source(%dma_start3A_159 : memref<4096xf32, #tpu.memory_space<vmem>>) target(%dma_start3A_157 : memref<4096xf32, #tpu.memory_space<hbm>>) target_semaphore(%arg10 : memref<!tpu.dma_semaphore, #tpu.memory_space<semaphore_mem>>)
      %add3A_160 = arith.constant 4 : i32
      %add3A_161 = arith.addi %add3A_12, %add3A_160 : i32
      %mul3A_162 = arith.constant 64 : i32
      %mul3A_163 = arith.muli %add3A_161, %mul3A_162 : i32
      %mul3A_164 = arith.constant 64 : i32
      %mul3A_165 = arith.muli %mul3A_163, %mul3A_164 : i32
      %dma_start3A_166 = arith.constant 0 : i32
      %dma_start3A_167 = tpu.memref_slice %arg15[%dma_start3A_166] : memref<4160xf32, #tpu.memory_space<vmem>> -> memref<4096xf32, #tpu.memory_space<vmem>>
      %dma_start3A_168 = tpu.memref_slice %arg5[%mul3A_165] : memref<4194304xf32, #tpu.memory_space<hbm>> -> memref<4096xf32, #tpu.memory_space<hbm>>
      %dma_start3A_169 = tpu.memref_slice %arg5[%mul3A_165] : memref<4194304xf32, #tpu.memory_space<hbm>> -> memref<4096xf32, #tpu.memory_space<hbm>>
      %dma_start3A_170 = arith.constant 0 : i32
      %dma_start3A_171 = tpu.memref_slice %arg15[%dma_start3A_170] : memref<4160xf32, #tpu.memory_space<vmem>> -> memref<4096xf32, #tpu.memory_space<vmem>>
      tpu.enqueue_dma source(%dma_start3A_171 : memref<4096xf32, #tpu.memory_space<vmem>>) target(%dma_start3A_169 : memref<4096xf32, #tpu.memory_space<hbm>>) target_semaphore(%arg10 : memref<!tpu.dma_semaphore, #tpu.memory_space<semaphore_mem>>)
      %add3A_172 = arith.constant 5 : i32
      %add3A_173 = arith.addi %add3A_12, %add3A_172 : i32
      %mul3A_174 = arith.constant 64 : i32
      %mul3A_175 = arith.muli %add3A_173, %mul3A_174 : i32
      %mul3A_176 = arith.constant 64 : i32
      %mul3A_177 = arith.muli %mul3A_175, %mul3A_176 : i32
      %dma_start3A_178 = arith.constant 0 : i32
      %dma_start3A_179 = tpu.memref_slice %arg16[%dma_start3A_178] : memref<4160xf32, #tpu.memory_space<vmem>> -> memref<4096xf32, #tpu.memory_space<vmem>>
      %dma_start3A_180 = tpu.memref_slice %arg5[%mul3A_177] : memref<4194304xf32, #tpu.memory_space<hbm>> -> memref<4096xf32, #tpu.memory_space<hbm>>
      %dma_start3A_181 = tpu.memref_slice %arg5[%mul3A_177] : memref<4194304xf32, #tpu.memory_space<hbm>> -> memref<4096xf32, #tpu.memory_space<hbm>>
      %dma_start3A_182 = arith.constant 0 : i32
      %dma_start3A_183 = tpu.memref_slice %arg16[%dma_start3A_182] : memref<4160xf32, #tpu.memory_space<vmem>> -> memref<4096xf32, #tpu.memory_space<vmem>>
      tpu.enqueue_dma source(%dma_start3A_183 : memref<4096xf32, #tpu.memory_space<vmem>>) target(%dma_start3A_181 : memref<4096xf32, #tpu.memory_space<hbm>>) target_semaphore(%arg10 : memref<!tpu.dma_semaphore, #tpu.memory_space<semaphore_mem>>)
      %add3A_184 = arith.constant 6 : i32
      %add3A_185 = arith.addi %add3A_12, %add3A_184 : i32
      %mul3A_186 = arith.constant 64 : i32
      %mul3A_187 = arith.muli %add3A_185, %mul3A_186 : i32
      %mul3A_188 = arith.constant 64 : i32
      %mul3A_189 = arith.muli %mul3A_187, %mul3A_188 : i32
      %dma_start3A_190 = arith.constant 0 : i32
      %dma_start3A_191 = tpu.memref_slice %arg17[%dma_start3A_190] : memref<4160xf32, #tpu.memory_space<vmem>> -> memref<4096xf32, #tpu.memory_space<vmem>>
      %dma_start3A_192 = tpu.memref_slice %arg5[%mul3A_189] : memref<4194304xf32, #tpu.memory_space<hbm>> -> memref<4096xf32, #tpu.memory_space<hbm>>
      %dma_start3A_193 = tpu.memref_slice %arg5[%mul3A_189] : memref<4194304xf32, #tpu.memory_space<hbm>> -> memref<4096xf32, #tpu.memory_space<hbm>>
      %dma_start3A_194 = arith.constant 0 : i32
      %dma_start3A_195 = tpu.memref_slice %arg17[%dma_start3A_194] : memref<4160xf32, #tpu.memory_space<vmem>> -> memref<4096xf32, #tpu.memory_space<vmem>>
      tpu.enqueue_dma source(%dma_start3A_195 : memref<4096xf32, #tpu.memory_space<vmem>>) target(%dma_start3A_193 : memref<4096xf32, #tpu.memory_space<hbm>>) target_semaphore(%arg10 : memref<!tpu.dma_semaphore, #tpu.memory_space<semaphore_mem>>)
      %add3A_196 = arith.constant 7 : i32
      %add3A_197 = arith.addi %add3A_12, %add3A_196 : i32
      %mul3A_198 = arith.constant 64 : i32
      %mul3A_199 = arith.muli %add3A_197, %mul3A_198 : i32
      %mul3A_200 = arith.constant 64 : i32
      %mul3A_201 = arith.muli %mul3A_199, %mul3A_200 : i32
      %dma_start3A_202 = arith.constant 0 : i32
      %dma_start3A_203 = tpu.memref_slice %arg18[%dma_start3A_202] : memref<4160xf32, #tpu.memory_space<vmem>> -> memref<4096xf32, #tpu.memory_space<vmem>>
      %dma_start3A_204 = tpu.memref_slice %arg5[%mul3A_201] : memref<4194304xf32, #tpu.memory_space<hbm>> -> memref<4096xf32, #tpu.memory_space<hbm>>
      %dma_start3A_205 = tpu.memref_slice %arg5[%mul3A_201] : memref<4194304xf32, #tpu.memory_space<hbm>> -> memref<4096xf32, #tpu.memory_space<hbm>>
      %dma_start3A_206 = arith.constant 0 : i32
      %dma_start3A_207 = tpu.memref_slice %arg18[%dma_start3A_206] : memref<4160xf32, #tpu.memory_space<vmem>> -> memref<4096xf32, #tpu.memory_space<vmem>>
      tpu.enqueue_dma source(%dma_start3A_207 : memref<4096xf32, #tpu.memory_space<vmem>>) target(%dma_start3A_205 : memref<4096xf32, #tpu.memory_space<hbm>>) target_semaphore(%arg10 : memref<!tpu.dma_semaphore, #tpu.memory_space<semaphore_mem>>)
      %dma_wait3A = arith.constant 0 : i32
      %dma_wait3A_208 = tpu.memref_slice %arg11[%dma_wait3A] : memref<4160xf32, #tpu.memory_space<vmem>> -> memref<4096xf32, #tpu.memory_space<vmem>>
      %dma_wait3A_209 = tpu.memref_slice %arg5[%mul3A_118] : memref<4194304xf32, #tpu.memory_space<hbm>> -> memref<4096xf32, #tpu.memory_space<hbm>>
      %dma_wait3A_210 = tpu.memref_slice %arg5[%mul3A_118] : memref<4194304xf32, #tpu.memory_space<hbm>> -> memref<4096xf32, #tpu.memory_space<hbm>>
      %dma_wait3A_211 = arith.constant 0 : i32
      %dma_wait3A_212 = tpu.memref_slice %arg11[%dma_wait3A_211] : memref<4160xf32, #tpu.memory_space<vmem>> -> memref<4096xf32, #tpu.memory_space<vmem>>
      tpu.wait_dma2 semaphore(%arg10 : memref<!tpu.dma_semaphore, #tpu.memory_space<semaphore_mem>>) src(%dma_wait3A_212 : memref<4096xf32, #tpu.memory_space<vmem>>) dst(%dma_wait3A_210 : memref<4096xf32, #tpu.memory_space<hbm>>)
      %dma_wait3A_213 = arith.constant 0 : i32
      %dma_wait3A_214 = tpu.memref_slice %arg12[%dma_wait3A_213] : memref<4160xf32, #tpu.memory_space<vmem>> -> memref<4096xf32, #tpu.memory_space<vmem>>
      %dma_wait3A_215 = tpu.memref_slice %arg5[%mul3A_129] : memref<4194304xf32, #tpu.memory_space<hbm>> -> memref<4096xf32, #tpu.memory_space<hbm>>
      %dma_wait3A_216 = tpu.memref_slice %arg5[%mul3A_129] : memref<4194304xf32, #tpu.memory_space<hbm>> -> memref<4096xf32, #tpu.memory_space<hbm>>
      %dma_wait3A_217 = arith.constant 0 : i32
      %dma_wait3A_218 = tpu.memref_slice %arg12[%dma_wait3A_217] : memref<4160xf32, #tpu.memory_space<vmem>> -> memref<4096xf32, #tpu.memory_space<vmem>>
      tpu.wait_dma2 semaphore(%arg10 : memref<!tpu.dma_semaphore, #tpu.memory_space<semaphore_mem>>) src(%dma_wait3A_218 : memref<4096xf32, #tpu.memory_space<vmem>>) dst(%dma_wait3A_216 : memref<4096xf32, #tpu.memory_space<hbm>>)
      %dma_wait3A_219 = arith.constant 0 : i32
      %dma_wait3A_220 = tpu.memref_slice %arg13[%dma_wait3A_219] : memref<4160xf32, #tpu.memory_space<vmem>> -> memref<4096xf32, #tpu.memory_space<vmem>>
      %dma_wait3A_221 = tpu.memref_slice %arg5[%mul3A_141] : memref<4194304xf32, #tpu.memory_space<hbm>> -> memref<4096xf32, #tpu.memory_space<hbm>>
      %dma_wait3A_222 = tpu.memref_slice %arg5[%mul3A_141] : memref<4194304xf32, #tpu.memory_space<hbm>> -> memref<4096xf32, #tpu.memory_space<hbm>>
      %dma_wait3A_223 = arith.constant 0 : i32
      %dma_wait3A_224 = tpu.memref_slice %arg13[%dma_wait3A_223] : memref<4160xf32, #tpu.memory_space<vmem>> -> memref<4096xf32, #tpu.memory_space<vmem>>
      tpu.wait_dma2 semaphore(%arg10 : memref<!tpu.dma_semaphore, #tpu.memory_space<semaphore_mem>>) src(%dma_wait3A_224 : memref<4096xf32, #tpu.memory_space<vmem>>) dst(%dma_wait3A_222 : memref<4096xf32, #tpu.memory_space<hbm>>)
      %dma_wait3A_225 = arith.constant 0 : i32
      %dma_wait3A_226 = tpu.memref_slice %arg14[%dma_wait3A_225] : memref<4160xf32, #tpu.memory_space<vmem>> -> memref<4096xf32, #tpu.memory_space<vmem>>
      %dma_wait3A_227 = tpu.memref_slice %arg5[%mul3A_153] : memref<4194304xf32, #tpu.memory_space<hbm>> -> memref<4096xf32, #tpu.memory_space<hbm>>
      %dma_wait3A_228 = tpu.memref_slice %arg5[%mul3A_153] : memref<4194304xf32, #tpu.memory_space<hbm>> -> memref<4096xf32, #tpu.memory_space<hbm>>
      %dma_wait3A_229 = arith.constant 0 : i32
      %dma_wait3A_230 = tpu.memref_slice %arg14[%dma_wait3A_229] : memref<4160xf32, #tpu.memory_space<vmem>> -> memref<4096xf32, #tpu.memory_space<vmem>>
      tpu.wait_dma2 semaphore(%arg10 : memref<!tpu.dma_semaphore, #tpu.memory_space<semaphore_mem>>) src(%dma_wait3A_230 : memref<4096xf32, #tpu.memory_space<vmem>>) dst(%dma_wait3A_228 : memref<4096xf32, #tpu.memory_space<hbm>>)
      %dma_wait3A_231 = arith.constant 0 : i32
      %dma_wait3A_232 = tpu.memref_slice %arg15[%dma_wait3A_231] : memref<4160xf32, #tpu.memory_space<vmem>> -> memref<4096xf32, #tpu.memory_space<vmem>>
      %dma_wait3A_233 = tpu.memref_slice %arg5[%mul3A_165] : memref<4194304xf32, #tpu.memory_space<hbm>> -> memref<4096xf32, #tpu.memory_space<hbm>>
      %dma_wait3A_234 = tpu.memref_slice %arg5[%mul3A_165] : memref<4194304xf32, #tpu.memory_space<hbm>> -> memref<4096xf32, #tpu.memory_space<hbm>>
      %dma_wait3A_235 = arith.constant 0 : i32
      %dma_wait3A_236 = tpu.memref_slice %arg15[%dma_wait3A_235] : memref<4160xf32, #tpu.memory_space<vmem>> -> memref<4096xf32, #tpu.memory_space<vmem>>
      tpu.wait_dma2 semaphore(%arg10 : memref<!tpu.dma_semaphore, #tpu.memory_space<semaphore_mem>>) src(%dma_wait3A_236 : memref<4096xf32, #tpu.memory_space<vmem>>) dst(%dma_wait3A_234 : memref<4096xf32, #tpu.memory_space<hbm>>)
      %dma_wait3A_237 = arith.constant 0 : i32
      %dma_wait3A_238 = tpu.memref_slice %arg16[%dma_wait3A_237] : memref<4160xf32, #tpu.memory_space<vmem>> -> memref<4096xf32, #tpu.memory_space<vmem>>
      %dma_wait3A_239 = tpu.memref_slice %arg5[%mul3A_177] : memref<4194304xf32, #tpu.memory_space<hbm>> -> memref<4096xf32, #tpu.memory_space<hbm>>
      %dma_wait3A_240 = tpu.memref_slice %arg5[%mul3A_177] : memref<4194304xf32, #tpu.memory_space<hbm>> -> memref<4096xf32, #tpu.memory_space<hbm>>
      %dma_wait3A_241 = arith.constant 0 : i32
      %dma_wait3A_242 = tpu.memref_slice %arg16[%dma_wait3A_241] : memref<4160xf32, #tpu.memory_space<vmem>> -> memref<4096xf32, #tpu.memory_space<vmem>>
      tpu.wait_dma2 semaphore(%arg10 : memref<!tpu.dma_semaphore, #tpu.memory_space<semaphore_mem>>) src(%dma_wait3A_242 : memref<4096xf32, #tpu.memory_space<vmem>>) dst(%dma_wait3A_240 : memref<4096xf32, #tpu.memory_space<hbm>>)
      %dma_wait3A_243 = arith.constant 0 : i32
      %dma_wait3A_244 = tpu.memref_slice %arg17[%dma_wait3A_243] : memref<4160xf32, #tpu.memory_space<vmem>> -> memref<4096xf32, #tpu.memory_space<vmem>>
      %dma_wait3A_245 = tpu.memref_slice %arg5[%mul3A_189] : memref<4194304xf32, #tpu.memory_space<hbm>> -> memref<4096xf32, #tpu.memory_space<hbm>>
      %dma_wait3A_246 = tpu.memref_slice %arg5[%mul3A_189] : memref<4194304xf32, #tpu.memory_space<hbm>> -> memref<4096xf32, #tpu.memory_space<hbm>>
      %dma_wait3A_247 = arith.constant 0 : i32
      %dma_wait3A_248 = tpu.memref_slice %arg17[%dma_wait3A_247] : memref<4160xf32, #tpu.memory_space<vmem>> -> memref<4096xf32, #tpu.memory_space<vmem>>
      tpu.wait_dma2 semaphore(%arg10 : memref<!tpu.dma_semaphore, #tpu.memory_space<semaphore_mem>>) src(%dma_wait3A_248 : memref<4096xf32, #tpu.memory_space<vmem>>) dst(%dma_wait3A_246 : memref<4096xf32, #tpu.memory_space<hbm>>)
      %dma_wait3A_249 = arith.constant 0 : i32
      %dma_wait3A_250 = tpu.memref_slice %arg18[%dma_wait3A_249] : memref<4160xf32, #tpu.memory_space<vmem>> -> memref<4096xf32, #tpu.memory_space<vmem>>
      %dma_wait3A_251 = tpu.memref_slice %arg5[%mul3A_201] : memref<4194304xf32, #tpu.memory_space<hbm>> -> memref<4096xf32, #tpu.memory_space<hbm>>
      %dma_wait3A_252 = tpu.memref_slice %arg5[%mul3A_201] : memref<4194304xf32, #tpu.memory_space<hbm>> -> memref<4096xf32, #tpu.memory_space<hbm>>
      %dma_wait3A_253 = arith.constant 0 : i32
      %dma_wait3A_254 = tpu.memref_slice %arg18[%dma_wait3A_253] : memref<4160xf32, #tpu.memory_space<vmem>> -> memref<4096xf32, #tpu.memory_space<vmem>>
      tpu.wait_dma2 semaphore(%arg10 : memref<!tpu.dma_semaphore, #tpu.memory_space<semaphore_mem>>) src(%dma_wait3A_254 : memref<4096xf32, #tpu.memory_space<vmem>>) dst(%dma_wait3A_252 : memref<4096xf32, #tpu.memory_space<hbm>>)
    }
    %scan3A_8 = arith.constant 4 : i32
    return
  }
}

module attributes {stable_mosaic.version = 14 : i64} {
  func.func @_mm_kernel(%arg0: i32, %arg1: memref<128x4096xf32, #tpu.memory_space<vmem>>, %arg2: memref<128x4096xf32, #tpu.memory_space<vmem>>, %arg3: memref<128x4096xf32, #tpu.memory_space<vmem>>, %arg4: memref<128x1xf32, #tpu.memory_space<vmem>>, %arg5: memref<128x128xf32, #tpu.memory_space<vmem>>) attributes {dimension_semantics = [#tpu.dimension_semantics<arbitrary>], iteration_bounds = array<i64: 8>, scalar_prefetch = 0 : i64, scratch_operands = 0 : i64, tpu.core_type = #tpu.core_type<tc>, window_params = [{transform_indices = @transform_0, window_bounds = array<i64: 128, 4096>}, {pipeline_mode = #tpu.pipeline_mode<synchronous>, transform_indices = @transform_1, window_bounds = array<i64: 128, 4096>}, {pipeline_mode = #tpu.pipeline_mode<synchronous>, transform_indices = @transform_2, window_bounds = array<i64: 128, 4096>}, {pipeline_mode = #tpu.pipeline_mode<synchronous>, transform_indices = @transform_3, window_bounds = array<i64: 128, 1>}, {transform_indices = @transform_4, window_bounds = array<i64: 128, 128>}]} {
    %get3A = arith.constant 0 : index
    %get3A_0 = arith.constant 0 : index
    %get3A_1 = vector.load %arg1[%get3A, %get3A_0] : memref<128x4096xf32, #tpu.memory_space<vmem>>, vector<128x4096xf32>
    %bitcast_convert_type3A = tpu.bitcast %get3A_1 : vector<128x4096xf32> -> vector<128x4096xi32>
    %shift_left3A = arith.constant 16 : i32
    %shift_left3A_2 = vector.broadcast %shift_left3A : i32 to vector<128x4096xi32>
    %shift_left3A_3 = arith.shli %bitcast_convert_type3A, %shift_left3A_2 : vector<128x4096xi32>
    %bitcast_convert_type3A_4 = tpu.bitcast %shift_left3A_3 : vector<128x4096xi32> -> vector<128x4096xf32>
    %and3A = arith.constant -65536 : i32
    %and3A_5 = vector.broadcast %and3A : i32 to vector<128x4096xi32>
    %and3A_6 = arith.andi %bitcast_convert_type3A, %and3A_5 : vector<128x4096xi32>
    %bitcast_convert_type3A_7 = tpu.bitcast %and3A_6 : vector<128x4096xi32> -> vector<128x4096xf32>
    %get3A_8 = arith.constant 0 : index
    %get3A_9 = arith.constant 0 : index
    %get3A_10 = vector.load %arg2[%get3A_8, %get3A_9] : memref<128x4096xf32, #tpu.memory_space<vmem>>, vector<128x4096xf32>
    %dot_general3A = arith.constant dense<0.000000e+00> : vector<128x128xf32>
    %dot_general3A_11 = tpu.matmul %get3A_10, %bitcast_convert_type3A_4, %dot_general3A {dimension_numbers = #tpu.dot_dimension_numbers<[1], [1], [0], [0], [0, 0, 1, 0], [], []>, transpose_lhs_hint = false} : vector<128x4096xf32>, vector<128x4096xf32>, vector<128x128xf32> -> vector<128x128xf32>
    %get3A_12 = arith.constant 0 : index
    %get3A_13 = arith.constant 0 : index
    %get3A_14 = vector.load %arg3[%get3A_12, %get3A_13] : memref<128x4096xf32, #tpu.memory_space<vmem>>, vector<128x4096xf32>
    %dot_general3A_15 = arith.constant dense<0.000000e+00> : vector<128x128xf32>
    %dot_general3A_16 = tpu.matmul %get3A_14, %bitcast_convert_type3A_7, %dot_general3A_15 {dimension_numbers = #tpu.dot_dimension_numbers<[1], [1], [0], [0], [0, 0, 1, 0], [], []>, transpose_lhs_hint = false} : vector<128x4096xf32>, vector<128x4096xf32>, vector<128x128xf32> -> vector<128x128xf32>
    %add3A = arith.addf %dot_general3A_11, %dot_general3A_16 : vector<128x128xf32>
    %get3A_17 = arith.constant 0 : index
    %get3A_18 = arith.constant 0 : index
    %get3A_19 = vector.load %arg4[%get3A_17, %get3A_18] : memref<128x1xf32, #tpu.memory_space<vmem>>, vector<128x1xf32>
    %add3A_20 = vector.broadcast %get3A_19 : vector<128x1xf32> to vector<128x128xf32>
    %add3A_21 = arith.addf %add3A, %add3A_20 : vector<128x128xf32>
    %swap3A = arith.constant 0 : index
    %swap3A_22 = arith.constant 0 : index
    %swap3A_23 = vector.load %arg5[%swap3A, %swap3A_22] : memref<128x128xf32, #tpu.memory_space<vmem>>, vector<128x128xf32>
    tpu.vector_store %arg5[%swap3A, %swap3A_22], %add3A_21 {strides = array<i32>} : memref<128x128xf32, #tpu.memory_space<vmem>>, vector<128x128xf32>,
    return
  }
  func.func @transform_0(%arg0: i32) -> (i32, i32) {
    %c0_i32 = arith.constant 0 : i32
    %c0_i32_0 = arith.constant 0 : i32
    return %arg0, %c0_i32 : i32, i32
  }
  func.func @transform_1(%arg0: i32) -> (i32, i32) {
    %c0_i32 = arith.constant 0 : i32
    %c0_i32_0 = arith.constant 0 : i32
    %c0_i32_1 = arith.constant 0 : i32
    return %c0_i32, %c0_i32_0 : i32, i32
  }
  func.func @transform_2(%arg0: i32) -> (i32, i32) {
    %c0_i32 = arith.constant 0 : i32
    %c0_i32_0 = arith.constant 0 : i32
    %c0_i32_1 = arith.constant 0 : i32
    return %c0_i32, %c0_i32_0 : i32, i32
  }
  func.func @transform_3(%arg0: i32) -> (i32, i32) {
    %c0_i32 = arith.constant 0 : i32
    %c0_i32_0 = arith.constant 0 : i32
    %c0_i32_1 = arith.constant 0 : i32
    return %c0_i32, %c0_i32_0 : i32, i32
  }
  func.func @transform_4(%arg0: i32) -> (i32, i32) {
    %c0_i32 = arith.constant 0 : i32
    %c0_i32_0 = arith.constant 0 : i32
    return %c0_i32, %arg0 : i32, i32
  }
}

</mosaic_0001>

<sc_bundles>
// kernel: kernel.4.cloned.1.call-start
scs
__scs_entry_jumppad:
0x0: {  	(pc) =	sbr.rel $0x88, $3  }
0x1: {  	(tag) =	ssettag $0x0;
	lr =	simm.s32 $0x1  }
0x2: {  	[smem:$0x3F9D] =	sst lr;
	_ =	strace $0xD0000000  }
0x3: {  	_ = 	snop  }
0x4: {  	_ = 	snop  }
0x5: {  	_ = 	snop  }
0x6: {  	_ = 	snop  }
0x7: {  	_ = 	snop  }
__scs_overlays_trampoline_lowered:
0x8: {  	[smem:$0x3FAC] =	sst s0  }
0x9: {  	[smem:$0x3FAD] =	sst s1  }
0xa: {  	[smem:$0x3FAE] =	sst s2  }
0xb: {  	[smem:$0x3FAF] =	sst s3  }
0xc: {  	[smem:$0x3FB0] =	sst s4  }
0xd: {  	[smem:$0x3FB1] =	sst s5  }
0xe: {  	[smem:$0x3FB2] =	sst s6  }
0xf: {  	[smem:$0x3FB3] =	sst s7  }
0x10: {  	[smem:$0x3FB4] =	sst s8  }
0x11: {  	[smem:$0x3FB5] =	sst s9;
	s0 =	simm.s32 @!p0 $0x0  }
0x12: {  	s1 =	sld [smem:$0x3F9B];
	s0 =	simm.s32 @p0 $0x1  }
0x13: {  	[smem:$0x3FB6] =	sst s0;
	s0 =	simm.s32 @!p1 $0x0  }
0x14: {  	s2 =	sld [smem:$0x3F9A];
	s0 =	simm.s32 @p1 $0x1  }
0x15: {  	[smem:$0x3FB7] =	sst s0;
	s0 =	simm.s32 @!p2 $0x0  }
0x16: {  	s3 =	sld [smem:$0x3FDB];
	s0 =	simm.s32 @p2 $0x1  }
0x17: {  	s4 =	simm.s32 $0x1BF5;
	[smem:$0x3FB9] =	sst s0  }
0x18: {  	s0 =	sld [smem:$0x3F9C];
	_ =	swait.ge [sflag:s4], $0x0  }
0x19: {  	s7 =	sld [smem:$0x3F9D]  }
0x1a: {  	s8 =	sadd.s32 $0xFFFFE003, lr  }
0x1b: {  	s9 =	sadd.s32 $0xFFFFFEF7, lr;
	s5 =	simm.s32 $0xFFFFFFFF;
	p2 =	slt.u32 s8, $0xFFFFF086  }
0x1c: {  	p1 =	slt.u32 s9, $0xF7A;
	s5 =	simm.s32 @!p2 $0x0  }
0x1d: {  	s5 =	simm.s32 @p1 $0x1;
	p0 =	seq.s32 s7, s2  }
0x1e: {  	s7 =	smul.u32 @!p0 $0xF7A, s2;
	p2 =	seq.s32 @!p0 s5, $0x0  }
0x1f: {  	s9 =	smul.u32 $0xF7A, s1;
	s8 =	simm.s32 @!p0 $0x1BF5;
	p2 =	por !p2, p0  }
0x20: {  	[sflag:s8] =	ssyncset.s32 @!p0 $0xFFFFF086;
	s6 =	sadd.s32 @!p0 s3, s7;
	s7 =	simm.s32 @!p0 $0x108  }
0x21: {  	s3 =	sadd.s32 s3, s9;
	s6 =	sadd.s32 @!p0 $0x88, s6;
	s7 =	simm.s32 @p2 $0x1082  }
0x22: {  	[simem:s7], [sflag:s8] =	dma.local @!p0 [hbm:s6], $0xF7A  }
0x23: {  	s9 =	sor.u32 $0xD0000000, s2;
	s6 =	simm.s32 $0x108;
	_ =	swait.ge @!p0 [sflag:s8], $0x0  }
0x24: {  	s3 =	sadd.s32 $0x88, s3;
	s6 =	simm.s32 @!p1 $0x1082;
	[sflag:s4] =	ssyncset.s32 $0xFFFFF086  }
0x25: {  	[simem:s6], [sflag:s4] =	dma.local [hbm:s3], $0xF7A  }
0x26: {  	[smem:$0x3F9D] =	sst s1;
	(tag) =	ssettag s2;
	_ =	strace s9  }
0x27: {  	s1 =	sld [smem:$0x3FAD]  }
0x28: {  	s2 =	sld [smem:$0x3FAE]  }
0x29: {  	s4 =	sld [smem:$0x3FB0]  }
0x2a: {  	p0 =	seq.s32 s5, $0x0;
	s5 =	sld [smem:$0x3FB1]  }
0x2b: {  	s6 =	sld [smem:$0x3FB2]  }
0x2c: {  	s7 =	sld [smem:$0x3FB3]  }
0x2d: {  	s3 =	simm.s32 $0x108;
	s8 =	sld [smem:$0x3FB4]  }
0x2e: {  	s3 =	simm.s32 @!p0 $0x1082;
	s9 =	sld [smem:$0x3FB5]  }
0x2f: {  	lr =	sadd.s32 s0, s3;
	s0 =	sld [smem:$0x3FAC]  }
0x30: {  	s3 =	sld [smem:$0x3FAF]  }
0x31: {  	[smem:$0x3FB8] =	sst s10  }
0x32: {  	s10 =	sld [smem:$0x3FB6];
	_ =	sdelay $0x3  }
0x33: {  	p0 =	seq.s32 s10, $0x1;
	s10 =	sld [smem:$0x3FB8];
	_ =	sdelay $0x3  }
0x34: {  	[smem:$0x3FB8] =	sst s10  }
0x35: {  	s10 =	sld [smem:$0x3FB7];
	_ =	sdelay $0x3  }
0x36: {  	p1 =	seq.s32 s10, $0x1;
	s10 =	sld [smem:$0x3FB8];
	_ =	sdelay $0x3  }
0x37: {  	[smem:$0x3FB8] =	sst s10  }
0x38: {  	s10 =	sld [smem:$0x3FB9]  }
0x39: {  	_ = 	snop;
	(pc) =	sbr.ind lr, $3  }
0x3a: {  	_ = 	snop  }
0x3b: {  	_ = 	snop  }
0x3c: {  	p2 =	seq.s32 s10, $0x1;
	s10 =	sld [smem:$0x3FB8]  }
0x3d: {  	_ =	shalt  }
0x3e: {  	_ =	shalt  }
0x3f: {  	_ =	shalt  }
0x40: {  	_ =	shalt  }
0x41: {  	_ =	shalt  }
0x42: {  	_ =	shalt  }
0x43: {  	_ =	shalt  }
0x44: {  	_ =	shalt  }
0x45: {  	_ =	shalt  }
0x46: {  	_ =	shalt  }
0x47: {  	_ =	shalt  }
0x48: {  	_ =	shalt  }
0x49: {  	_ =	shalt  }
0x4a: {  	_ =	shalt  }
0x4b: {  	_ =	shalt  }
0x4c: {  	_ =	shalt  }
0x4d: {  	_ =	shalt  }
0x4e: {  	_ =	shalt  }
0x4f: {  	_ =	shalt  }
0x50: {  	_ =	shalt  }
0x51: {  	_ =	shalt  }
0x52: {  	_ =	shalt  }
0x53: {  	_ =	shalt  }
0x54: {  	_ =	shalt  }
0x55: {  	_ =	shalt  }
0x56: {  	_ =	shalt  }
0x57: {  	_ =	shalt  }
0x58: {  	_ =	shalt  }
0x59: {  	_ =	shalt  }
0x5a: {  	_ =	shalt  }
0x5b: {  	_ =	shalt  }
0x5c: {  	_ =	shalt  }
0x5d: {  	_ =	shalt  }
0x5e: {  	_ =	shalt  }
0x5f: {  	_ =	shalt  }
0x60: {  	_ =	shalt  }
0x61: {  	_ =	shalt  }
0x62: {  	_ =	shalt  }
0x63: {  	_ =	shalt  }
0x64: {  	_ =	shalt  }
0x65: {  	_ =	shalt  }
0x66: {  	_ =	shalt  }
0x67: {  	_ =	shalt  }
0x68: {  	_ =	shalt  }
0x69: {  	_ =	shalt  }
0x6a: {  	_ =	shalt  }
0x6b: {  	_ =	shalt  }
0x6c: {  	_ =	shalt  }
0x6d: {  	_ =	shalt  }
0x6e: {  	_ =	shalt  }
0x6f: {  	_ =	shalt  }
0x70: {  	_ =	shalt  }
0x71: {  	_ =	shalt  }
0x72: {  	_ =	shalt  }
0x73: {  	_ =	shalt  }
0x74: {  	_ =	shalt  }
0x75: {  	_ =	shalt  }
0x76: {  	_ =	shalt  }
0x77: {  	_ =	shalt  }
0x78: {  	_ =	shalt  }
0x79: {  	_ =	shalt  }
0x7a: {  	_ =	shalt  }
0x7b: {  	_ =	shalt  }
0x7c: {  	_ =	shalt  }
0x7d: {  	_ =	shalt  }
0x7e: {  	_ =	shalt  }
0x7f: {  	_ =	shalt  }
0x80: {  	_ =	shalt  }
0x81: {  	_ =	shalt  }
0x82: {  	_ =	shalt  }
0x83: {  	_ =	shalt  }
0x84: {  	_ =	shalt  }
0x85: {  	_ =	shalt  }
0x86: {  	_ =	shalt  }
0x87: {  	_ =	shalt  }
.Lfunc_end0:
.L_simem_size_0:
called_computation_lowered:
.L_overlay_start_0:
0x88: {  	s2 =	sld [smem:$0x3FD9]  }
0x89: {  	s3 =	sld [smem:$0x3FFE];
	_ =	sdelay $0x1  }
0x8a: {  	s1 =	srdreg.scid  }
0x8b: {  	s0 =	sand.u32 $0x1, s1  }
0x8c: {  	s17 =	sshll.u32 s0, $0xA;
	s2 =	sadd.s32 s3, s2  }
0x8d: {  	s2 =	sadd.s32 s2, s17  }
0x8e: {  	[smem:$0x3FC4] =	sst s2  }
0x8f: {  	_ = 	snop  }
0x90: {  	s2 =	sld [smem:$0x3FD0];
	(tm) =	ssettm $0x1  }
0x91: {  	s18 =	sld [smem:$0x3FFB];
	_ =	sdelay $0x3  }
0x92: {  	_ =	strace s18  }
0x93: {  	s3 =	sld [smem:$0x3FFC];
	_ =	sdelay $0x3  }
0x94: {  	_ =	strace s3  }
0x95: {  	s3 =	sld [smem:$0x3FFD];
	_ =	sdelay $0x3  }
0x96: {  	_ =	strace s3  }
0x97: {  	_ =	strace $0x8FFFFFFF  }
0x98: {  	s19 =	sld [smem:$0x3FDB];
	_ =	sdelay $0x1  }
0x99: {  	s4 =	simm.s32 $_scs_section_size  }
0x9a: {  	s5 =	simm.s32 $_size__tile_overlayer_lowered;
	s6 =	simm.s32 $_tile_overlayer_lowered  }
0x9b: {  	s22 =	simm.s32 $0x1BFF;
	s21 =	sshll.u32 s6, $0x1;
	s3 =	sadd.s32 s4, s19  }
0x9c: {  	s7 =	simm.s32 $0x0;
	s20 =	sshll.u32 s5, $0x1;
	s5 =	sadd.s32 s21, s3  }
0x9d: {  	[timem:s7], [sflag:s22] =	dma.local [hbm:s5], s20  }
0x9e: {  	_ =	swait.ge [sflag:s22], s20  }
0x9f: {  	s4 =	ssub.s32 $0x0, s20;
	[sflag:s22] =	ssyncset.done $0x0  }
0xa0: {  	[sflag:s22] =	ssyncadd.s32 s4;
	_ =	sdelay $0x1  }
0xa1: {  	s23 =	simm.s32 $0x1B8B  }
0xa2: {  	_ =	swait.ge [sflag:s23], $0x1  }
0xa3: {  	[sflag:s23] =	ssyncset.done $0x0  }
0xa4: {  	s25 =	simm.s32 $0x1B8E;
	s24 =	sld [smem:$0x3FFE];
	[sflag:s23] =	ssyncadd.s32 $0xFFFFFFFF  }
0xa5: {  	s26 =	simm.s32 $execute0_lowered;
	[smem:$0x3FD2] =	sst s25  }
0xa6: {  	s5 =	sshll.u32 s26, $0x1;
	_ =	strace $0x80000046;
	[dreg:$0x1] =	wrdreg $0xFFFFFFFF  }
0xa7: {  	s28 =	simm.s32 $_size_execute0_lowered;
	s3 =	sadd.s32 s3, s5;
	[dreg:$0x0] =	wrdreg $0x0  }
0xa8: {  	s5 =	sshll.u32 s28, $0x1;
	[dreg:$0x2] =	wrdreg s3  }
0xa9: {  	[dreg:$0x3] =	wrdreg s5  }
0xaa: {  	[dreg:$0x4] =	wrdreg $0xC0  }
0xab: {  	_ =	task [dreg:s7], $0x5FFFF  }
0xac: {  	[dreg:$0x1] =	wrdreg $0xFFFFFFFF  }
0xad: {  	[dreg:$0x0] =	wrdreg $0x60  }
0xae: {  	[dreg:$0x2] =	wrdreg s2  }
0xaf: {  	[dreg:$0x3] =	wrdreg s24  }
0xb0: {  	[dreg:$0x4] =	wrdreg $0x9  }
0xb1: {  	_ =	task.clear_ibuf [dreg:s7], $0x5FFFF;
	_ =	strace $0x90000046  }
0xb2: {  	s29 =	simm.s32 $0x9;
	_ =	strace $0x80000048  }
0xb3: {  	_ =	swait.ge [sflag:s29], $0x1  }
0xb4: {  	[sflag:s29] =	ssyncadd.s32 $0xFFFFFFFF  }
0xb5: {  	_ =	strace $0x90000048  }
0xb6: {  	_ =	sfence  }
0xb7: {  	s30 =	sld [smem:$0x0];
	_ =	sdelay $0x2  }
0xb8: {  	s31 =	sshll.u32 s1, $0xD;
	s1 =	sshrl.u32 s1, $0x2  }
0xb9: {  	s3 =	sand.u32 $0x4000, s31;
	s1 =	sadd.s32 s1, s30  }
0xba: {  	s0 =	sor.u32 s3, s0;
	s1 =	sshll.u32 s1, $0x11  }
0xbb: {  	s0 =	sor.u32 s1, s0  }
0xbc: {  	s0 =	sadd.s32 $0x8F2B, s0  }
0xbd: {  	[sflag:s0] =	ssyncadd.remote.s32 $0x1  }
0xbe: {  	_ =	sfence.sel $0xFFFF  }
0xbf: {  	[dreg:$0x0] =	wrdreg $0xFFFFFFFF;
	(pc) =	sbr.abs _section_cstart, $3  }
0xc0: {  	[dreg:$0x1] =	wrdreg $0xFFFFFFFF  }
0xc1: {  	_ =	task.clear_ibuf [dreg:s7], $0x2FFFF;
	_ =	strace $0x9FFFFFFF  }
0xc2: {  	(tm) =	ssettm $0x7FFFFFFF  }
0xc3: {  	_ =	shalt  }
tec
execute0_lowered:
.L_overlay_start_1:
0x0: {  	(tag) =	ssettag $0x1  }
0x1: {  	s0 =	rddreg [dreg:$0x1];
	s2 =	simm.s32 $0x0;
	s1 =	srdreg.scid  }
0x2: {  	s8 =	stileid.u32;
	s16 =	simm.s32 $0x2;
	s19 =	simm.s32 $0x800  }
0x3: {  	s20 =	simm.s32 $0x14800;
	s21 =	simm.s32 $0x15880;
	s22 =	simm.s32 $0x16900  }
0x4: {  	s23 =	simm.s32 $0x17980;
	s24 =	simm.s32 $0x18A00;
	s25 =	simm.s32 $0x19A80  }
0x5: {  	s26 =	simm.s32 $0x1AB00;
	s28 =	simm.s32 $0x1BB80;
	s29 =	simm.s32 $0x1  }
0x6: {  	s30 =	simm.s32 $0x0;
	[smem:$0x7FF] =	sst s2;
	s4 =	sadd.s32 $0xE00, s0  }
0x7: {  	s5 =	sadd.s32 $0xC00, s0;
	s1 =	sand.u32 $0x1, s1;
	s6 =	sadd.s32 $0x1000, s0  }
0x8: {  	v0 =	vimm.f32 $0.0e+00;
	v4 =	vimm.s32 $0x0;
	s8 =	sshll.u32 s8, $0x6;
	s9 =	sadd.s32 $0x1400, s0;
	s3 =	ssub.s32 $0x2, s1  }
0x9: {  	v5 =	vimm.s32 $0x1;
	v6 =	vimm.s32 $0x2;
	v8 =	vimm.s32 $0x3;
	s10 =	sadd.s32 $0x1600, s0;
	s1 =	sshll.u32 s1, $0x5;
	s7 =	sshrl.u32 s3, $0x1  }
0xa: {  	v9 =	vimm.s32 $0x4;
	v51 =	vimm.s32 $0x5;
	v7 =	vlaneseq.u32;
	s11 =	sadd.s32 $0x1800, s0;
	s3 =	ssub.s32 s3, s7;
	s7 =	sor.u32 s1, s8  }
0xb: {  	v52 =	vimm.s32 $0x6;
	s12 =	sadd.s32 $0x1A00, s0;
	s13 =	sadd.s32 $0x1C00, s0;
	s14 =	sadd.s32 $0x1E00, s0;
	v10 =	vor.u32 $0x10, v7;
	v1 =	vmov s7  }
0xc: {  	v53 =	vimm.s32 $0x7;
	v11 =	vor.u32 $0x20, v7;
	v12 =	vor.u32 $0x30, v7;
	_ =	strace $0x80000047;
	s8 =	sadd.s32 $0x1200, s0;
	s15 =	smax.u32 s3, $0x1;
	[tilespmem:$0x1FFF0] =	vst v1  }
.LBB2_1:
0xd: {  	[tilespmem:s2], [sflag:$0x2] =	stream.linear.gather [hbm4b:s4+s2], $0x400, $0x38;
	[tilespmem:$0x1CC00] =	vst v63  }
0xe: {  	_ =	swait.ge [sflag:s16], $0x400  }
0xf: {  	[sflag:s16] =	ssyncset.done $0x0  }
0x10: {  	s0 =	simm.s32 $0x400;
	[sflag:s16] =	ssyncadd.s32 $0xFFFFFC00  }
0x11: {  	[tilespmem:s0], [sflag:$0x2] =	stream.linear.gather [hbm4b:s5+s2], $0x400, $0x38;
	[tilespmem:$0x1CC00] =	vst v63  }
0x12: {  	_ =	swait.ge [sflag:s16], $0x400  }
0x13: {  	[sflag:s16] =	ssyncset.done $0x0  }
0x14: {  	[sflag:s16] =	ssyncadd.s32 $0xFFFFFC00  }
0x15: {  	s1 =	simm.s32 $0x4800;
	s18 =	rddreg [dreg:$0x0]  }
0x16: {  	[tilespmem:s1], [sflag:$0x2] =	stream.linear.gather [hbm4b:s18+s2], $0x10000, $0x38;
	[tilespmem:$0x1CC00] =	vst v63  }
0x17: {  	_ =	swait.ge [sflag:s16], $0x10000  }
0x18: {  	[sflag:s16] =	ssyncset.done $0x0  }
0x19: {  	s31 =	simm.s32 $0x0;
	[sflag:s16] =	ssyncadd.s32 $0xFFFF0000  }
.LBB2_2:
0x1a: {  	v2 =	vld [tilespmem:$0x1FFF0];
	_ =	sdelay $0x6  }
0x1b: {  	s1 =	sshll.u32 s31, $0x3  }
0x1c: {  	v1 =	vld.idx.msk [tilespmem:v2+s1+$0x0 ss:$0x1], $0xffff  }
0x1d: {  	s3 =	simm.s32 $0x40;
	s0 =	sadd.s32 s7, s1;
	v13 =	vld.idx.msk [tilespmem:v2+s1+$0x400 ss:$0x1], $0xffff;
	s1 =	simm.s32 $0x0  }
.LBB2_3:
0x1e: {  	p0 =	sne.s32 s3, $0x40C0;
	[tilespmem:s1+$0x1BB80] =	vst v0  }
0x1f: {  	[tilespmem:s1+$0x14800] =	vst v0  }
0x20: {  	[tilespmem:s1+$0x15880] =	vst v0  }
.Ltmp0:
0x21: {  	[tilespmem:s1+$0x16900] =	vst v0;
	(pc) =	sbr.rel @p0 .LBB2_3-.Ltmp0, $4  }
0x22: {  	[tilespmem:s1+$0x17980] =	vst v0  }
0x23: {  	[tilespmem:s1+$0x18A00] =	vst v0  }
0x24: {  	[tilespmem:s1+$0x19A80] =	vst v0  }
0x25: {  	[tilespmem:s1+$0x1AB00] =	vst v0;
	s1 =	sshra.s32 s3, $0x2;
	s3 =	sadd.s32 $0x40, s3  }
0x26: {  	v14 =	vperm.xlane v1, v4  }
0x27: {  	v15 =	vperm.xlane v1, v5;
	v16 =	vperm.xlane v1, v6  }
0x28: {  	v17 =	vperm.xlane v1, v8;
	v18 =	vperm.xlane v1, v9  }
0x29: {  	[tilespmem:s1+$0x1BB80] =	vst v0;
	v19 =	vperm.xlane v1, v51;
	v20 =	vperm.xlane v1, v52  }
0x2a: {  	[tilespmem:s1+$0x14800] =	vst v0;
	v21 =	vperm.xlane v1, v53;
	v22 =	vperm.xlane v13, v4  }
0x2b: {  	[tilespmem:s1+$0x15880] =	vst v0;
	v23 =	vperm.xlane v13, v5;
	v24 =	vperm.xlane v13, v6  }
0x2c: {  	[tilespmem:s1+$0x16900] =	vst v0;
	v25 =	vperm.xlane v13, v8;
	v26 =	vperm.xlane v13, v9  }
0x2d: {  	[tilespmem:s1+$0x17980] =	vst v0;
	v27 =	vperm.xlane v13, v51;
	v28 =	vperm.xlane v13, v52;
	s3 =	sor.u32 $0x1, s0  }
0x2e: {  	[tilespmem:s1+$0x18A00] =	vst v0;
	v29 =	vperm.xlane v13, v53;
	v30 =	vmov s0;
	s17 =	sor.u32 $0x3, s0;
	s18 =	sor.u32 $0x4, s0;
	v31 =	vmov s3;
	s3 =	sor.u32 $0x2, s0  }
0x2f: {  	[tilespmem:s1+$0x19A80] =	vst v0;
	v33 =	vmov s17;
	v34 =	vmov s18;
	s17 =	sor.u32 $0x6, s0;
	s18 =	sor.u32 $0x7, s0;
	v32 =	vmov s3;
	s3 =	sor.u32 $0x5, s0  }
0x30: {  	[tilespmem:s1+$0x1AB00] =	vst v0;
	s1 =	simm.s32 $0x0;
	v36 =	vmov s17;
	v37 =	vmov s18;
	s17 =	simm.s32 $0x0;
	v35 =	vmov s3;
	s3 =	simm.s32 $0x400  }
.LBB2_5:
0x31: {  	v39 =	vld [tilespmem:s3+$0x0]  }
0x32: {  	v41 =	vld [tilespmem:s1+$0x0];
	_ =	sdelay $0x3  }
0x33: {  	v38 =	vor.u32 s17, v7  }
0x34: {  	vm5 =	vne.s32 v38, v30;
	v1 =	vsub.f32 v39, v22;
	v2 =	vsub.f32 v41, v14  }
0x35: {  	vm8 =	vne.s32 v38, v31;
	v54 =	vsub.f32 v39, v26;
	v58 =	vsub.f32 v41, v19  }
0x36: {  	vm11 =	vne.s32 v38, v32;
	v48 =	vsub.f32 v39, v27;
	v62 =	vsub.f32 v41, v20  }
0x37: {  	vm14 =	vne.s32 v38, v33;
	v63 =	vsub.f32 v39, v28;
	v3 =	vadd.f32 $1.600000000e+01, v1  }
0x38: {  	v13 =	vadd.f32 $1.600000000e+01, v2;
	v2 =	vand.u32 $0x7FFFFFFF, v2;
	v1 =	vand.u32 $0x7FFFFFFF, v1  }
0x39: {  	v47 =	vadd.f32 $1.600000000e+01, v54;
	v59 =	vadd.f32 $1.600000000e+01, v58;
	vm0 =	vle.f32 v2, $1.600000000e+01  }
0x3a: {  	vm1 =	vle.f32 v1, $1.600000000e+01;
	v3 =	vmul.f32 $2.500000000e-01, v3;
	v13 =	vmul.f32 $2.500000000e-01, v13  }
0x3b: {  	v61 =	vand.u32 $0x7FFFFFFF, v48;
	vm0 =	vmand vm0, vm1;
	v56 =	vmul.f32 $2.500000000e-01, v47  }
0x3c: {  	vm0 =	vmand vm5, vm0;
	v2 =	vmax.f32 v3, $0.0e+00;
	v3 =	vmax.f32 v13, $0.0e+00  }
0x3d: {  	v13 =	vsub.f32 v39, v23;
	v2 =	vmin.f32 v2, $7.000000000e+00;
	v1 =	vmin.f32 v3, $7.000000000e+00  }
0x3e: {  	v3 =	vsub.f32 v41, v15;
	v2 =	vtrunc.f32 v2;
	v1 =	vtrunc.f32 v1  }
0x3f: {  	v42 =	vadd.f32 $1.600000000e+01, v13;
	v2 =	vcvt.f32.s32 v2;
	v1 =	vcvt.f32.s32 v1  }
0x40: {  	v57 =	vmax.f32 v56, $0.0e+00;
	v56 =	vadd.f32 $1.600000000e+01, v63;
	v40 =	vadd.f32 $1.600000000e+01, v3  }
0x41: {  	v43 =	vmul.f32 $2.500000000e-01, v42;
	v2 =	vshll.u32 v2, $0x9;
	v1 =	vshll.u32 v1, $0x6  }
0x42: {  	v1 =	vadd.s32 v1, v2;
	v2 =	vmul.f32 $2.500000000e-01, v40;
	v40 =	vshll.u32 v38, $0x4  }
0x43: {  	v42 =	vnsel vm0, $0x1000, v1;
	v1 =	vand.u32 $0x7FFFFFFF, v3;
	v3 =	vand.u32 $0x7FFFFFFF, v13  }
0x44: {  	v13 =	vsub.f32 v41, v16;
	v46 =	vor.u32 $0x1, v40;
	v47 =	vor.u32 $0x2, v40  }
0x45: {  	vm6 =	vle.f32 v1, $1.600000000e+01;
	v1 =	vmax.f32 v2, $0.0e+00;
	v2 =	vmax.f32 v43, $0.0e+00  }
0x46: {  	vm7 =	vle.f32 v3, $1.600000000e+01;
	v3 =	vsub.f32 v39, v24;
	v1 =	vmin.f32 v1, $7.000000000e+00  }
0x47: {  	v2 =	vmin.f32 v2, $7.000000000e+00;
	vm0 =	vmand vm6, vm7;
	vm6 =	vne.s32 v38, v34  }
0x48: {  	v2 =	vtrunc.f32 v2;
	v1 =	vtrunc.f32 v1;
	v49 =	vadd.f32 $1.600000000e+01, v3  }
0x49: {  	vm0 =	vmand vm8, vm0;
	v3 =	vand.u32 $0x7FFFFFFF, v3;
	v2 =	vcvt.f32.s32 v2  }
0x4a: {  	v1 =	vcvt.f32.s32 v1;
	vm2 =	vle.f32 v3, $1.600000000e+01;
	v3 =	vsub.f32 v39, v25  }
0x4b: {  	vm8 =	vle.f32 v61, $1.600000000e+01;
	v44 =	vmul.f32 $2.500000000e-01, v49;
	v49 =	vadd.f32 $1.600000000e+01, v48  }
0x4c: {  	v2 =	vshll.u32 v2, $0x9;
	v1 =	vshll.u32 v1, $0x6;
	v50 =	vadd.f32 $1.600000000e+01, v3  }
0x4d: {  	v3 =	vand.u32 $0x7FFFFFFF, v3;
	v1 =	vadd.s32 v1, v2;
	v2 =	vadd.f32 $1.600000000e+01, v13  }
0x4e: {  	v39 =	vsub.f32 v39, v29;
	v13 =	vand.u32 $0x7FFFFFFF, v13;
	vm13 =	vle.f32 v3, $1.600000000e+01  }
0x4f: {  	v49 =	vmul.f32 $2.500000000e-01, v49;
	vm9 =	vle.f32 v13, $1.600000000e+01;
	v2 =	vmul.f32 $2.500000000e-01, v2  }
0x50: {  	v43 =	vnsel vm0, $0x1000, v1;
	v1 =	vmax.f32 v44, $0.0e+00;
	v13 =	vsub.f32 v41, v17  }
0x51: {  	v44 =	vmul.f32 $2.500000000e-01, v50;
	v50 =	vor.u32 $0x3, v40;
	v2 =	vmax.f32 v2, $0.0e+00  }
0x52: {  	vm10 =	vmand vm9, vm2;
	v1 =	vmin.f32 v1, $7.000000000e+00;
	v2 =	vmin.f32 v2, $7.000000000e+00  }
0x53: {  	v49 =	vmax.f32 v49, $0.0e+00;
	v1 =	vtrunc.f32 v1;
	v2 =	vtrunc.f32 v2  }
0x54: {  	v45 =	vadd.f32 $1.600000000e+01, v13;
	v1 =	vcvt.f32.s32 v1;
	v2 =	vcvt.f32.s32 v2  }
0x55: {  	vm0 =	vmand vm11, vm10;
	v60 =	vmin.f32 v49, $7.000000000e+00;
	vm10 =	vne.s32 v38, v35  }
0x56: {  	v49 =	vand.u32 $0x7FFFFFFF, v63;
	v1 =	vshll.u32 v1, $0x9;
	v2 =	vshll.u32 v2, $0x6  }
0x57: {  	vm11 =	vle.f32 v49, $1.600000000e+01;
	v45 =	vmul.f32 $2.500000000e-01, v45;
	v1 =	vadd.s32 v2, v1  }
0x58: {  	v2 =	vand.u32 $0x7FFFFFFF, v13;
	v13 =	vmax.f32 v44, $0.0e+00;
	v44 =	vmin.f32 v57, $7.000000000e+00  }
0x59: {  	v57 =	vor.u32 $0x4, v40;
	vm12 =	vle.f32 v2, $1.600000000e+01;
	v2 =	vmax.f32 v45, $0.0e+00  }
0x5a: {  	v13 =	vmin.f32 v13, $7.000000000e+00;
	v1 =	vnsel vm0, $0x1000, v1;
	v45 =	vand.u32 $0x7FFFFFFF, v58  }
0x5b: {  	v2 =	vmin.f32 v2, $7.000000000e+00;
	v13 =	vtrunc.f32 v13;
	vm1 =	vmand vm12, vm13  }
0x5c: {  	vm7 =	vle.f32 v45, $1.600000000e+01;
	v45 =	vmul.f32 $2.500000000e-01, v56;
	vm13 =	vne.s32 v38, v36  }
0x5d: {  	v3 =	vcvt.f32.s32 v13;
	v2 =	vtrunc.f32 v2;
	v13 =	vsub.f32 v41, v18  }
0x5e: {  	vm15 =	vmand vm14, vm1;
	v41 =	vsub.f32 v41, v21;
	vm14 =	vne.s32 v38, v37  }
0x5f: {  	v2 =	vcvt.f32.s32 v2;
	v45 =	vmax.f32 v45, $0.0e+00;
	v3 =	vshll.u32 v3, $0x9  }
0x60: {  	v55 =	vadd.f32 $1.600000000e+01, v13;
	v45 =	vmin.f32 v45, $7.000000000e+00;
	v58 =	vand.u32 $0x7FFFFFFF, v41  }
0x61: {  	v41 =	vadd.f32 $1.600000000e+01, v41;
	v2 =	vshll.u32 v2, $0x6;
	v45 =	vtrunc.f32 v45  }
0x62: {  	v2 =	vadd.s32 v2, v3;
	v3 =	vand.u32 $0x7FFFFFFF, v13;
	v13 =	vmul.f32 $2.500000000e-01, v55  }
0x63: {  	vm12 =	vle.f32 v58, $1.600000000e+01;
	v45 =	vcvt.f32.s32 v45;
	v41 =	vmul.f32 $2.500000000e-01, v41  }
0x64: {  	vm4 =	vle.f32 v3, $1.600000000e+01;
	v3 =	vand.u32 $0x7FFFFFFF, v54;
	v13 =	vmax.f32 v13, $0.0e+00  }
0x65: {  	vm5 =	vle.f32 v3, $1.600000000e+01;
	v3 =	vmin.f32 v13, $7.000000000e+00;
	v13 =	vtrunc.f32 v44  }
0x66: {  	v55 =	vadd.f32 $1.600000000e+01, v62;
	v44 =	vmul.f32 $2.500000000e-01, v59;
	v3 =	vtrunc.f32 v3  }
0x67: {  	v54 =	vand.u32 $0x7FFFFFFF, v62;
	v13 =	vcvt.f32.s32 v13;
	v3 =	vcvt.f32.s32 v3  }
0x68: {  	v2 =	vnsel vm15, $0x1000, v2;
	v62 =	vor.u32 $0x6, v40;
	vm9 =	vle.f32 v54, $1.600000000e+01  }
0x69: {  	v44 =	vmax.f32 v44, $0.0e+00;
	v13 =	vshll.u32 v13, $0x9;
	v3 =	vshll.u32 v3, $0x6  }
0x6a: {  	v45 =	vshll.u32 v45, $0x9;
	v3 =	vadd.s32 v3, v13;
	v13 =	vmin.f32 v44, $7.000000000e+00  }
0x6b: {  	v41 =	vmax.f32 v41, $0.0e+00;
	v44 =	vtrunc.f32 v60;
	v13 =	vtrunc.f32 v13  }
0x6c: {  	vm0 =	vmand vm4, vm5;
	v44 =	vcvt.f32.s32 v44;
	v13 =	vcvt.f32.s32 v13  }
0x6d: {  	v59 =	vand.u32 $0x7FFFFFFF, v39;
	v39 =	vadd.f32 $1.600000000e+01, v39;
	v41 =	vmin.f32 v41, $7.000000000e+00  }
0x6e: {  	v41 =	vtrunc.f32 v41;
	v44 =	vshll.u32 v44, $0x9;
	v13 =	vshll.u32 v13, $0x6  }
0x6f: {  	v39 =	vmul.f32 $2.500000000e-01, v39;
	v13 =	vadd.s32 v13, v44;
	v44 =	vmul.f32 $2.500000000e-01, v55  }
0x70: {  	vm0 =	vmand vm6, vm0;
	vm3 =	vle.f32 v59, $1.600000000e+01;
	v63 =	vcvt.f32.s32 v41  }
0x71: {  	[tilespmem:v40+s19+$0x0] =	vst.idx.msk $0xffff, v42;
	vm1 =	vmand vm12, vm3;
	v39 =	vmax.f32 v39, $0.0e+00;
	v44 =	vmax.f32 v44, $0.0e+00  }
0x72: {  	[tilespmem:v46+s19+$0x0] =	vst.idx.msk $0xffff, v43;
	v60 =	vor.u32 $0x5, v40;
	v39 =	vmin.f32 v39, $7.000000000e+00;
	v44 =	vmin.f32 v44, $7.000000000e+00  }
0x73: {  	[tilespmem:v47+s19+$0x0] =	vst.idx.msk $0xffff, v1;
	v40 =	vor.u32 $0x7, v40;
	v3 =	vnsel vm0, $0x1000, v3;
	v44 =	vtrunc.f32 v44  }
0x74: {  	[tilespmem:v50+s19+$0x0] =	vst.idx.msk $0xffff, v2;
	vm0 =	vmand vm7, vm8;
	v39 =	vtrunc.f32 v39;
	v44 =	vcvt.f32.s32 v44  }
0x75: {  	p0 =	sne.s32 s17, $0x3F0;
	vm0 =	vmand vm10, vm0;
	v1 =	vcvt.f32.s32 v39;
	[tilespmem:v57+s19+$0x0] =	vst.idx.msk $0xffff, v3;
	v3 =	vshll.u32 v63, $0x6  }
.Ltmp1:
0x76: {  	v13 =	vnsel vm0, $0x1000, v13;
	vm0 =	vmand vm9, vm11;
	v61 =	vshll.u32 v44, $0x6;
	(pc) =	sbr.rel @p0 .LBB2_5-.Ltmp1, $4  }
0x77: {  	v1 =	vshll.u32 v1, $0x9;
	vm0 =	vmand vm13, vm0;
	v2 =	vadd.s32 v61, v45  }
0x78: {  	vm15 =	vmand vm14, vm1;
	v1 =	vadd.s32 v3, v1;
	[tilespmem:v60+s19+$0x0] =	vst.idx.msk $0xffff, v13;
	v2 =	vnsel vm0, $0x1000, v2  }
0x79: {  	v1 =	vnsel vm15, $0x1000, v1;
	[tilespmem:v62+s19+$0x0] =	vst.idx.msk $0xffff, v2  }
0x7a: {  	s1 =	sadd.s32 $0x10, s1;
	s3 =	sadd.s32 $0x10, s3;
	s17 =	sadd.s32 $0x10, s17;
	[tilespmem:v40+s19+$0x0] =	vst.idx.msk $0xffff, v1  }
0x7b: {  	s1 =	simm.s32 $0x0  }
0x7c: {  	v1 =	vld [tilespmem:s1+$0x800];
	_ =	sdelay $0x4  }
0x7d: {  	v28 =	vperm.xlane v1, v53;
	_ =	sdelay $0x1  }
0x7e: {  	s3 =	simm.s32 $0x4820;
	v24 =	vperm.xlane v1, v4;
	v25 =	vadd.s32 v7, v28  }
0x7f: {  	v14 =	vld [tilespmem:s3+$0x10];
	v30 =	vperm.xlane v1, v52;
	v15 =	vadd.s32 v11, v28  }
0x80: {  	v44 =	vld [tilespmem:s3+$0xFFFFFFE0];
	v19 =	vadd.s32 v11, v24  }
0x81: {  	v18 =	vld [tilespmem:s3+$0x0];
	v34 =	vadd.s32 v7, v30  }
0x82: {  	v22 =	vld [tilespmem:s3+$0xFFFFFFF0];
	v31 =	vperm.xlane v1, v51;
	v16 =	vadd.s32 v11, v30  }
0x83: {  	v20 =	vadd.s32 v10, v30;
	v26 =	vld.idx.msk [tilespmem:v25+s28+$0x0], $0xffff  }
0x84: {  	v17 =	vadd.s32 v11, v31;
	v61 =	vld.idx.msk [tilespmem:v15+s28+$0x0], $0xffff  }
0x85: {  	v21 =	vadd.s32 v10, v31;
	v13 =	vld.idx.msk [tilespmem:v19+s20+$0x0], $0xffff  }
0x86: {  	v38 =	vperm.xlane v1, v5;
	v23 =	vadd.s32 v10, v24;
	v32 =	vld.idx.msk [tilespmem:v34+s26+$0x0], $0xffff  }
0x87: {  	v47 =	vperm.xlane v1, v6;
	v51 =	vadd.s32 v7, v24;
	v35 =	vld.idx.msk [tilespmem:v16+s26+$0x0], $0xffff  }
0x88: {  	v42 =	vperm.xlane v1, v8;
	v52 =	vadd.s32 v7, v38;
	v37 =	vld.idx.msk [tilespmem:v20+s26+$0x0], $0xffff  }
0x89: {  	v46 =	vperm.xlane v1, v9;
	v53 =	vadd.s32 v7, v47;
	v1 =	vld.idx.msk [tilespmem:v17+s25+$0x0], $0xffff  }
0x8a: {  	v54 =	vadd.s32 v7, v42;
	v48 =	vld.idx.msk [tilespmem:v21+s25+$0x0], $0xffff  }
0x8b: {  	v55 =	vadd.s32 v7, v46;
	v60 =	vld.idx.msk [tilespmem:v23+s20+$0x0], $0xffff  }
0x8c: {  	v41 =	vadd.s32 v10, v46;
	v58 =	vld.idx.msk [tilespmem:v51+s20+$0x0], $0xffff  }
0x8d: {  	v56 =	vadd.s32 v7, v31;
	v2 =	vld.idx.msk [tilespmem:v52+s21+$0x0], $0xffff  }
0x8e: {  	v36 =	vadd.s32 v10, v47;
	v40 =	vadd.s32 v10, v28;
	v3 =	vld.idx.msk [tilespmem:v53+s22+$0x0], $0xffff  }
0x8f: {  	v27 =	vadd.s32 v11, v47;
	v43 =	vadd.s32 v10, v42;
	v33 =	vadd.s32 v11, v38;
	v63 =	vld.idx.msk [tilespmem:v54+s23+$0x0], $0xffff  }
0x90: {  	v29 =	vadd.s32 v11, v46;
	v49 =	vadd.s32 v10, v38;
	v62 =	vld.idx.msk [tilespmem:v55+s24+$0x0], $0xffff;
	v50 =	vmax.bf16 v26, v44  }
0x91: {  	v57 =	vld.idx.msk [tilespmem:v41+s24+$0x0], $0xffff;
	v26 =	vadd.s32 v11, v42;
	v59 =	vmax.bf16 v32, v44;
	v39 =	vmax.bf16 v13, v18  }
0x92: {  	v32 =	vmax.bf16 v35, v18;
	v13 =	vld.idx.msk [tilespmem:v56+s25+$0x0], $0xffff;
	v45 =	vmax.bf16 v37, v22;
	v37 =	vmax.bf16 v1, v18  }
0x93: {  	v35 =	vmax.bf16 v61, v18;
	v48 =	vmax.bf16 v48, v22;
	v1 =	vmax.bf16 v58, v44;
	v61 =	vld.idx.msk [tilespmem:v40+s28+$0x0], $0xffff  }
0x94: {  	s1 =	simm.s32 $0x40;
	v2 =	vmax.bf16 v2, v44;
	v58 =	vld.idx.msk [tilespmem:v43+s23+$0x0], $0xffff;
	v3 =	vmax.bf16 v3, v44;
	v60 =	vmax.bf16 v60, v22  }
.LBB2_7:
0x95: {  	p0 =	sne.s32 s1, $0xFFC0  }
0x96: {  	v63 =	vmax.bf16 v63, v44;
	v4 =	vld.idx.msk [tilespmem:v29+s24+$0x0], $0xffff;
	s3 =	sadd.s32 $0x40, s3;
	s17 =	smov.u32 s1;
	s1 =	sadd.s32 $0x40, s1  }
0x97: {  	v62 =	vmax.bf16 v62, v44;
	v5 =	vld.idx.msk [tilespmem:v49+s21+$0x0], $0xffff  }
0x98: {  	v13 =	vmax.bf16 v13, v44;
	v44 =	vld.idx.msk [tilespmem:v26+s23+$0x0], $0xffff  }
0x99: {  	v6 =	vld.idx.msk [tilespmem:v33+s21+$0x0], $0xffff  }
0x9a: {  	v61 =	vmax.bf16 v61, v22;
	v8 =	vld.idx.msk [tilespmem:v27+s22+$0x0], $0xffff  }
0x9b: {  	v9 =	vld.idx.msk [tilespmem:v36+s22+$0x0], $0xffff  }
0x9c: {  	[tilespmem:v51+s20+$0x0] =	vst.idx.msk $0xffff, v1  }
0x9d: {  	[tilespmem:v52+s21+$0x0] =	vst.idx.msk $0xffff, v2  }
0x9e: {  	[tilespmem:v53+s22+$0x0] =	vst.idx.msk $0xffff, v3  }
0x9f: {  	v1 =	vadd.s32 v12, v47;
	[tilespmem:v54+s23+$0x0] =	vst.idx.msk $0xffff, v63  }
0xa0: {  	v2 =	vadd.s32 v12, v28;
	[tilespmem:v55+s24+$0x0] =	vst.idx.msk $0xffff, v62  }
0xa1: {  	v3 =	vadd.s32 v12, v30;
	[tilespmem:v56+s25+$0x0] =	vst.idx.msk $0xffff, v13  }
0xa2: {  	v13 =	vadd.s32 v12, v31;
	[tilespmem:v34+s26+$0x0] =	vst.idx.msk $0xffff, v59  }
0xa3: {  	[tilespmem:v25+s28+$0x0] =	vst.idx.msk $0xffff, v50;
	v25 =	vadd.s32 v12, v46  }
0xa4: {  	v24 =	vadd.s32 v12, v24;
	v28 =	vld.idx.msk [tilespmem:v1+s22+$0x0], $0xffff  }
0xa5: {  	v30 =	vadd.s32 v12, v38;
	v31 =	vadd.s32 v12, v42;
	v34 =	vld.idx.msk [tilespmem:v2+s28+$0x0], $0xffff  }
0xa6: {  	v38 =	vld.idx.msk [tilespmem:v3+s26+$0x0], $0xffff  }
0xa7: {  	v42 =	vld.idx.msk [tilespmem:v13+s25+$0x0], $0xffff  }
0xa8: {  	v46 =	vmax.bf16 v57, v22;
	v47 =	vld.idx.msk [tilespmem:v25+s24+$0x0], $0xffff  }
0xa9: {  	v50 =	vld.idx.msk [tilespmem:v24+s20+$0x0], $0xffff  }
0xaa: {  	v51 =	vld.idx.msk [tilespmem:v31+s23+$0x0], $0xffff  }
0xab: {  	v5 =	vmax.bf16 v5, v22;
	v52 =	vld.idx.msk [tilespmem:v30+s21+$0x0], $0xffff  }
0xac: {  	v9 =	vmax.bf16 v9, v22;
	[tilespmem:v23+s20+$0x0] =	vst.idx.msk $0xffff, v60  }
0xad: {  	v22 =	vmax.bf16 v58, v22;
	[tilespmem:v49+s21+$0x0] =	vst.idx.msk $0xffff, v5  }
0xae: {  	s17 =	sshra.s32 s17, $0x2;
	[tilespmem:v36+s22+$0x0] =	vst.idx.msk $0xffff, v9  }
0xaf: {  	[tilespmem:v43+s23+$0x0] =	vst.idx.msk $0xffff, v22  }
0xb0: {  	[tilespmem:v41+s24+$0x0] =	vst.idx.msk $0xffff, v46  }
0xb1: {  	[tilespmem:v21+s25+$0x0] =	vst.idx.msk $0xffff, v48  }
0xb2: {  	[tilespmem:v20+s26+$0x0] =	vst.idx.msk $0xffff, v45  }
0xb3: {  	v5 =	vmax.bf16 v6, v18;
	[tilespmem:v40+s28+$0x0] =	vst.idx.msk $0xffff, v61  }
0xb4: {  	v6 =	vmax.bf16 v8, v18;
	[tilespmem:v19+s20+$0x0] =	vst.idx.msk $0xffff, v39  }
0xb5: {  	v8 =	vmax.bf16 v44, v18;
	[tilespmem:v33+s21+$0x0] =	vst.idx.msk $0xffff, v5  }
0xb6: {  	v4 =	vmax.bf16 v4, v18;
	[tilespmem:v27+s22+$0x0] =	vst.idx.msk $0xffff, v6  }
0xb7: {  	[tilespmem:v26+s23+$0x0] =	vst.idx.msk $0xffff, v8  }
0xb8: {  	[tilespmem:v29+s24+$0x0] =	vst.idx.msk $0xffff, v4  }
0xb9: {  	[tilespmem:v17+s25+$0x0] =	vst.idx.msk $0xffff, v37  }
0xba: {  	v4 =	vmax.bf16 v50, v14;
	[tilespmem:v16+s26+$0x0] =	vst.idx.msk $0xffff, v32  }
0xbb: {  	v5 =	vmax.bf16 v52, v14;
	[tilespmem:v15+s28+$0x0] =	vst.idx.msk $0xffff, v35  }
0xbc: {  	v6 =	vmax.bf16 v28, v14;
	[tilespmem:v24+s20+$0x0] =	vst.idx.msk $0xffff, v4  }
0xbd: {  	v4 =	vmax.bf16 v51, v14;
	[tilespmem:v30+s21+$0x0] =	vst.idx.msk $0xffff, v5  }
0xbe: {  	v5 =	vmax.bf16 v47, v14;
	[tilespmem:v1+s22+$0x0] =	vst.idx.msk $0xffff, v6  }
0xbf: {  	v1 =	vmax.bf16 v42, v14;
	[tilespmem:v31+s23+$0x0] =	vst.idx.msk $0xffff, v4  }
0xc0: {  	v4 =	vmax.bf16 v38, v14;
	[tilespmem:v25+s24+$0x0] =	vst.idx.msk $0xffff, v5  }
0xc1: {  	v5 =	vmax.bf16 v34, v14;
	[tilespmem:v13+s25+$0x0] =	vst.idx.msk $0xffff, v1  }
0xc2: {  	[tilespmem:v3+s26+$0x0] =	vst.idx.msk $0xffff, v4  }
0xc3: {  	[tilespmem:v2+s28+$0x0] =	vst.idx.msk $0xffff, v5  }
0xc4: {  	v1 =	vld [tilespmem:s17+$0x800];
	_ =	sdelay $0x3  }
0xc5: {  	v2 =	vimm.s32 $0x0  }
0xc6: {  	v24 =	vperm.xlane v1, v2;
	v2 =	vimm.s32 $0x7  }
0xc7: {  	v28 =	vperm.xlane v1, v2;
	v2 =	vimm.s32 $0x5  }
0xc8: {  	v31 =	vperm.xlane v1, v2;
	v2 =	vimm.s32 $0x6  }
0xc9: {  	v30 =	vperm.xlane v1, v2  }
0xca: {  	v23 =	vadd.s32 v10, v24;
	v25 =	vadd.s32 v7, v28;
	v15 =	vadd.s32 v11, v28  }
0xcb: {  	v21 =	vadd.s32 v10, v31;
	v17 =	vadd.s32 v11, v31;
	v14 =	vld [tilespmem:s3+$0x10];
	v34 =	vadd.s32 v7, v30  }
0xcc: {  	v19 =	vadd.s32 v11, v24;
	v20 =	vadd.s32 v10, v30;
	v16 =	vadd.s32 v11, v30;
	v44 =	vld [tilespmem:s3+$0xFFFFFFE0]  }
0xcd: {  	v18 =	vld [tilespmem:s3+$0x0]  }
0xce: {  	v22 =	vld [tilespmem:s3+$0xFFFFFFF0]  }
0xcf: {  	v2 =	vld.idx.msk [tilespmem:v25+s28+$0x0], $0xffff  }
0xd0: {  	v3 =	vld.idx.msk [tilespmem:v15+s28+$0x0], $0xffff  }
0xd1: {  	v6 =	vimm.s32 $0x2;
	v5 =	vimm.s32 $0x1;
	v4 =	vld.idx.msk [tilespmem:v19+s20+$0x0], $0xffff  }
0xd2: {  	v8 =	vimm.s32 $0x3;
	v38 =	vperm.xlane v1, v5;
	v47 =	vperm.xlane v1, v6;
	v5 =	vld.idx.msk [tilespmem:v34+s26+$0x0], $0xffff  }
0xd3: {  	v42 =	vperm.xlane v1, v8;
	v8 =	vimm.s32 $0x4;
	v51 =	vadd.s32 v7, v24;
	v6 =	vld.idx.msk [tilespmem:v16+s26+$0x0], $0xffff  }
0xd4: {  	v46 =	vperm.xlane v1, v8;
	v52 =	vadd.s32 v7, v38;
	v1 =	vld.idx.msk [tilespmem:v20+s26+$0x0], $0xffff  }
0xd5: {  	v53 =	vadd.s32 v7, v47;
	v36 =	vadd.s32 v10, v47;
	v50 =	vmax.bf16 v2, v44;
	v2 =	vld.idx.msk [tilespmem:v17+s25+$0x0], $0xffff  }
0xd6: {  	v54 =	vadd.s32 v7, v42;
	v27 =	vadd.s32 v11, v47;
	v26 =	vadd.s32 v11, v42;
	v8 =	vld.idx.msk [tilespmem:v21+s25+$0x0], $0xffff  }
0xd7: {  	v33 =	vadd.s32 v11, v38;
	v55 =	vadd.s32 v7, v46;
	v29 =	vadd.s32 v11, v46;
	v9 =	vld.idx.msk [tilespmem:v23+s20+$0x0], $0xffff  }
0xd8: {  	v56 =	vadd.s32 v7, v31;
	v39 =	vmax.bf16 v4, v18;
	v59 =	vmax.bf16 v5, v44;
	v58 =	vld.idx.msk [tilespmem:v51+s20+$0x0], $0xffff  }
0xd9: {  	v43 =	vadd.s32 v10, v42;
	v41 =	vadd.s32 v10, v46;
	v32 =	vmax.bf16 v6, v18;
	v4 =	vld.idx.msk [tilespmem:v52+s21+$0x0], $0xffff  }
0xda: {  	v49 =	vadd.s32 v10, v38;
	v40 =	vadd.s32 v10, v28;
	v45 =	vmax.bf16 v1, v22;
	v5 =	vld.idx.msk [tilespmem:v53+s22+$0x0], $0xffff  }
0xdb: {  	v35 =	vmax.bf16 v3, v18;
	v37 =	vmax.bf16 v2, v18;
	v63 =	vld.idx.msk [tilespmem:v54+s23+$0x0], $0xffff  }
.Ltmp2:
0xdc: {  	v48 =	vmax.bf16 v8, v22;
	v62 =	vld.idx.msk [tilespmem:v55+s24+$0x0], $0xffff;
	(pc) =	sbr.rel @p0 .LBB2_7-.Ltmp2, $4  }
0xdd: {  	v13 =	vld.idx.msk [tilespmem:v56+s25+$0x0], $0xffff  }
0xde: {  	v1 =	vmax.bf16 v58, v44;
	v57 =	vld.idx.msk [tilespmem:v41+s24+$0x0], $0xffff  }
0xdf: {  	v2 =	vmax.bf16 v4, v44;
	v61 =	vld.idx.msk [tilespmem:v40+s28+$0x0], $0xffff  }
0xe0: {  	v60 =	vmax.bf16 v9, v22;
	v3 =	vmax.bf16 v5, v44;
	v58 =	vld.idx.msk [tilespmem:v43+s23+$0x0], $0xffff  }
0xe1: {  	_ =	sdelay $0x3  }
0xe2: {  	v4 =	vld.idx.msk [tilespmem:v29+s24+$0x0], $0xffff;
	_ =	sdelay $0x1  }
0xe3: {  	v5 =	vld.idx.msk [tilespmem:v49+s21+$0x0], $0xffff  }
0xe4: {  	v6 =	vld.idx.msk [tilespmem:v26+s23+$0x0], $0xffff  }
0xe5: {  	v8 =	vld.idx.msk [tilespmem:v33+s21+$0x0], $0xffff  }
0xe6: {  	v9 =	vld.idx.msk [tilespmem:v27+s22+$0x0], $0xffff;
	[tilespmem:$0x1FFE0] =	vst v4  }
0xe7: {  	v4 =	vld.idx.msk [tilespmem:v36+s22+$0x0], $0xffff;
	[tilespmem:v51+s20+$0x0] =	vst.idx.msk $0xffff, v1  }
0xe8: {  	[tilespmem:v52+s21+$0x0] =	vst.idx.msk $0xffff, v2  }
0xe9: {  	v1 =	vmax.bf16 v63, v44;
	[tilespmem:v53+s22+$0x0] =	vst.idx.msk $0xffff, v3  }
0xea: {  	v2 =	vmax.bf16 v62, v44;
	[tilespmem:v54+s23+$0x0] =	vst.idx.msk $0xffff, v1;
	v1 =	vadd.s32 v12, v47  }
0xeb: {  	v3 =	vmax.bf16 v13, v44;
	v13 =	vadd.s32 v12, v31;
	[tilespmem:v55+s24+$0x0] =	vst.idx.msk $0xffff, v2  }
0xec: {  	v24 =	vadd.s32 v12, v24;
	[tilespmem:v56+s25+$0x0] =	vst.idx.msk $0xffff, v3  }
0xed: {  	v52 =	vadd.s32 v12, v42;
	[tilespmem:v34+s26+$0x0] =	vst.idx.msk $0xffff, v59  }
0xee: {  	v54 =	vadd.s32 v12, v38;
	[tilespmem:v25+s28+$0x0] =	vst.idx.msk $0xffff, v50  }
0xef: {  	v2 =	vadd.s32 v12, v28;
	v28 =	vld.idx.msk [tilespmem:v1+s22+$0x0], $0xffff  }
0xf0: {  	v3 =	vadd.s32 v12, v30;
	v56 =	vld.idx.msk [tilespmem:v13+s25+$0x0], $0xffff  }
0xf1: {  	v25 =	vadd.s32 v12, v46;
	v62 =	vld.idx.msk [tilespmem:v24+s20+$0x0], $0xffff  }
0xf2: {  	v63 =	vld.idx.msk [tilespmem:v52+s23+$0x0], $0xffff  }
0xf3: {  	v50 =	vld.idx.msk [tilespmem:v54+s21+$0x0], $0xffff  }
0xf4: {  	v53 =	vld.idx.msk [tilespmem:v2+s28+$0x0], $0xffff  }
0xf5: {  	v55 =	vld.idx.msk [tilespmem:v3+s26+$0x0], $0xffff  }
0xf6: {  	v5 =	vmax.bf16 v5, v22;
	v59 =	vld.idx.msk [tilespmem:v25+s24+$0x0], $0xffff;
	[tilespmem:v23+s20+$0x0] =	vst.idx.msk $0xffff, v60  }
0xf7: {  	v4 =	vmax.bf16 v4, v22;
	[tilespmem:v49+s21+$0x0] =	vst.idx.msk $0xffff, v5  }
0xf8: {  	v5 =	vmax.bf16 v58, v22;
	[tilespmem:v36+s22+$0x0] =	vst.idx.msk $0xffff, v4  }
0xf9: {  	v4 =	vmax.bf16 v57, v22;
	[tilespmem:v43+s23+$0x0] =	vst.idx.msk $0xffff, v5  }
0xfa: {  	[tilespmem:v41+s24+$0x0] =	vst.idx.msk $0xffff, v4  }
0xfb: {  	[tilespmem:v21+s25+$0x0] =	vst.idx.msk $0xffff, v48  }
0xfc: {  	v4 =	vmax.bf16 v61, v22;
	[tilespmem:v20+s26+$0x0] =	vst.idx.msk $0xffff, v45  }
0xfd: {  	[tilespmem:v40+s28+$0x0] =	vst.idx.msk $0xffff, v4  }
0xfe: {  	v4 =	vmax.bf16 v8, v18;
	[tilespmem:v19+s20+$0x0] =	vst.idx.msk $0xffff, v39  }
0xff: {  	v5 =	vmax.bf16 v9, v18;
	[tilespmem:v33+s21+$0x0] =	vst.idx.msk $0xffff, v4  }
0x100: {  	[tilespmem:v27+s22+$0x0] =	vst.idx.msk $0xffff, v5;
	v5 =	vld [tilespmem:$0x1FFE0];
	_ =	sdelay $0x3  }
0x101: {  	v4 =	vmax.bf16 v6, v18  }
0x102: {  	[tilespmem:v26+s23+$0x0] =	vst.idx.msk $0xffff, v4;
	v5 =	vmax.bf16 v5, v18  }
0x103: {  	[tilespmem:v29+s24+$0x0] =	vst.idx.msk $0xffff, v5  }
0x104: {  	[tilespmem:v17+s25+$0x0] =	vst.idx.msk $0xffff, v37  }
0x105: {  	[tilespmem:v16+s26+$0x0] =	vst.idx.msk $0xffff, v32  }
0x106: {  	v4 =	vmax.bf16 v62, v14;
	[tilespmem:v15+s28+$0x0] =	vst.idx.msk $0xffff, v35  }
0x107: {  	v5 =	vmax.bf16 v50, v14;
	[tilespmem:v24+s20+$0x0] =	vst.idx.msk $0xffff, v4  }
0x108: {  	v4 =	vmax.bf16 v28, v14;
	[tilespmem:v54+s21+$0x0] =	vst.idx.msk $0xffff, v5  }
0x109: {  	v5 =	vmax.bf16 v63, v14;
	[tilespmem:v1+s22+$0x0] =	vst.idx.msk $0xffff, v4  }
0x10a: {  	v1 =	vmax.bf16 v59, v14;
	[tilespmem:v52+s23+$0x0] =	vst.idx.msk $0xffff, v5  }
0x10b: {  	v4 =	vmax.bf16 v56, v14;
	[tilespmem:v25+s24+$0x0] =	vst.idx.msk $0xffff, v1  }
0x10c: {  	v1 =	vmax.bf16 v55, v14;
	[tilespmem:v13+s25+$0x0] =	vst.idx.msk $0xffff, v4  }
0x10d: {  	s0 =	sshll.u32 s0, $0x9;
	v4 =	vmax.bf16 v53, v14;
	[tilespmem:v3+s26+$0x0] =	vst.idx.msk $0xffff, v1  }
0x10e: {  	s1 =	sadd.s32 s6, s0;
	[tilespmem:v2+s28+$0x0] =	vst.idx.msk $0xffff, v4  }
0x10f: {  	[hbm4b:s1+s2] =	stream.linear.scatter [tilespmem:s20], [sflag:$0x1], $0x1000, $0x38;
	[tilespmem:$0x1CC00] =	vst v63  }
0x110: {  	s3 =	sadd.s32 s0, s8  }
0x111: {  	[hbm4b:s3+s2] =	stream.linear.scatter [tilespmem:s21], [sflag:$0x1], $0x1000, $0x38;
	[tilespmem:$0x1CC00] =	vst v63  }
0x112: {  	s17 =	sadd.s32 s0, s9  }
0x113: {  	[hbm4b:s17+s2] =	stream.linear.scatter [tilespmem:s22], [sflag:$0x1], $0x1000, $0x38;
	[tilespmem:$0x1CC00] =	vst v63  }
0x114: {  	s18 =	sadd.s32 s0, s10  }
0x115: {  	[hbm4b:s18+s2] =	stream.linear.scatter [tilespmem:s23], [sflag:$0x1], $0x1000, $0x38;
	[tilespmem:$0x1CC00] =	vst v63  }
0x116: {  	s3 =	sadd.s32 s0, s11  }
0x117: {  	[hbm4b:s3+s2] =	stream.linear.scatter [tilespmem:s24], [sflag:$0x1], $0x1000, $0x38;
	[tilespmem:$0x1CC00] =	vst v63  }
0x118: {  	s17 =	sadd.s32 s0, s12  }
0x119: {  	[hbm4b:s17+s2] =	stream.linear.scatter [tilespmem:s25], [sflag:$0x1], $0x1000, $0x38;
	[tilespmem:$0x1CC00] =	vst v63  }
0x11a: {  	s18 =	sadd.s32 s0, s13  }
0x11b: {  	[hbm4b:s18+s2] =	stream.linear.scatter [tilespmem:s26], [sflag:$0x1], $0x1000, $0x38;
	[tilespmem:$0x1CC00] =	vst v63  }
0x11c: {  	s0 =	sadd.s32 s0, s14  }
0x11d: {  	[hbm4b:s0+s2] =	stream.linear.scatter [tilespmem:s28], [sflag:$0x1], $0x1000, $0x38;
	[tilespmem:$0x1CC00] =	vst v63  }
0x11e: {  	_ =	swait.ge [sflag:s29], $0x1000  }
0x11f: {  	[sflag:s29] =	ssyncset.done $0x0  }
0x120: {  	[sflag:s29] =	ssyncadd.s32 $0xFFFFF000  }
0x121: {  	_ =	swait.ge [sflag:s29], $0x1000  }
0x122: {  	[sflag:s29] =	ssyncset.done $0x0  }
0x123: {  	[sflag:s29] =	ssyncadd.s32 $0xFFFFF000  }
0x124: {  	_ =	swait.ge [sflag:s29], $0x1000  }
0x125: {  	[sflag:s29] =	ssyncset.done $0x0  }
0x126: {  	[sflag:s29] =	ssyncadd.s32 $0xFFFFF000  }
0x127: {  	_ =	swait.ge [sflag:s29], $0x1000  }
0x128: {  	[sflag:s29] =	ssyncset.done $0x0  }
0x129: {  	[sflag:s29] =	ssyncadd.s32 $0xFFFFF000  }
0x12a: {  	_ =	swait.ge [sflag:s29], $0x1000  }
0x12b: {  	[sflag:s29] =	ssyncset.done $0x0  }
0x12c: {  	[sflag:s29] =	ssyncadd.s32 $0xFFFFF000  }
0x12d: {  	_ =	swait.ge [sflag:s29], $0x1000  }
0x12e: {  	[sflag:s29] =	ssyncset.done $0x0  }
0x12f: {  	s31 =	sadd.s32 $0x1, s31;
	[sflag:s29] =	ssyncadd.s32 $0xFFFFF000  }
0x130: {  	p0 =	sne.s32 s31, $0x4;
	_ =	swait.ge [sflag:s29], $0x1000  }
.Ltmp3:
0x131: {  	[sflag:s29] =	ssyncset.done $0x0;
	(pc) =	sbr.rel @p0 .LBB2_2-.Ltmp3, $4  }
0x132: {  	[sflag:s29] =	ssyncadd.s32 $0xFFFFF000  }
0x133: {  	v51 =	vimm.s32 $0x5;
	v9 =	vimm.s32 $0x4;
	_ =	swait.ge [sflag:s29], $0x1000  }
0x134: {  	v8 =	vimm.s32 $0x3;
	v6 =	vimm.s32 $0x2;
	v5 =	vimm.s32 $0x1;
	[sflag:s29] =	ssyncset.done $0x0  }
0x135: {  	v52 =	vimm.s32 $0x6;
	v53 =	vimm.s32 $0x7;
	v4 =	vimm.s32 $0x0;
	[sflag:s29] =	ssyncadd.s32 $0xFFFFF000  }
0x136: {  	s30 =	sadd.s32 $0x1, s30  }
0x137: {  	p0 =	sne.s32 s30, s15  }
.Ltmp4:
0x138: {  	_ = 	snop;
	(pc) =	sbr.rel @p0 .LBB2_1-.Ltmp4, $1  }
0x139: {  	_ =	sdelay $0x3  }
0x13a: {  	_ =	sfence.sel $0x180000  }
0x13b: {  	[bflag:$0x0] =	sbarrier.arrive $0xFFFF  }
0x13c: {  	_ =	strace $0x90000047  }
0x13d: {  	s0 =	stileid.u32;
	[bflag:$0x2] =	sbarrier.arrive $0xFFFF  }
0x13e: {  	p0 =	sne.s32 s0, $0x0;
	s0 =	rddreg [dreg:$0x2]  }
0x13f: {  	s0 =	sadd.s32 @!p0 $0x100000, s0  }
0x140: {  	[sflag:s0] =	ssyncadd.tile.s32 @!p0 $0x1;
	_ =	shalt  }
.Lfunc_end2:
_tile_overlayer_lowered:
.L_overlay_start_2:
0x141: {  	(tag) =	ssettag $0x2  }
0x142: {  	s0 =	rddreg [dreg:$0x0];
	s2 =	stileid.u32  }
0x143: {  	s1 =	rddreg [dreg:$0x1];
	p0 =	sne.s32 s2, $0x0  }
0x144: {  	s3 =	rddreg [dreg:$0x2];
	[bflag:$0x3] =	sbarrier.arrive $0xFFFF;
	s2 =	simm.s32 @!p0 $0x1C02  }
0x145: {  	[timem:s3], [sflag:s2] =	dma.local @!p0 [hbm:s0], s1  }
0x146: {  	s0 =	simm.s32 @!p0 $0x2  }
0x147: {  	_ =	swait.ge @!p0 [sflag:s0], s1  }
0x148: {  	s1 =	ssub.s32 @!p0 $0x0, s1;
	[sflag:s0] =	ssyncset.done @!p0 $0x0  }
0x149: {  	[sflag:s0] =	ssyncadd.s32 @!p0 s1  }
0x14a: {  	[bflag:$0x3] =	sbarrier.arrive $0xFFFF  }
0x14b: {  	_ =	shalt  }

</sc_bundles>
